<compile_context>
chip_gen: v7x
topology: tpu7x:2x2x1
jax: 0.10.2.dev20260603
libtpu: 0.0.44.dev20260713+nightly
codegen_flags: <defaults>
</compile_context>

<pallas_src>
import functools

import jax
import jax.numpy as jnp
from jax import lax
from jax.experimental import pallas as pl
from jax.experimental.pallas import tpu as pltpu
from jax.experimental.pallas import tpu_sc as plsc

N, G, T, S = 320000, 128, 16, 256
SCALE = 1000000.0

N_SC = 64000
N_TC = N - N_SC

NC, NS = 2, 16
NW = NC * NS
RW = N_SC // NW
CHUNK = 80
NCH = RW // CHUNK

BLK = 2560
NSTR = 5
TC_OFF = N_SC // BLK
NB_TC = N_TC // BLK
H = NB_TC // NSTR
NB_ALL = N // BLK


def _sc_segment_sum():
    mesh = plsc.VectorSubcoreMesh(core_axis_name="c", subcore_axis_name="s")

    @functools.partial(
        pl.kernel,
        mesh=mesh,
        out_type=jax.ShapeDtypeStruct((NC, S, G), jnp.float32),
        scratch_types=[
            pltpu.VMEM((CHUNK, G), jnp.float32),
            pltpu.VMEM((CHUNK, G), jnp.float32),
            pltpu.VMEM((CHUNK,), jnp.int32),
            pltpu.VMEM((CHUNK,), jnp.int32),
            pltpu.VMEM((16, G), jnp.float32),
            pltpu.VMEM_SHARED((S, G), jnp.float32),
            pltpu.SemaphoreType.DMA,
            pltpu.SemaphoreType.DMA,
            pltpu.SemaphoreType.DMA,
            pltpu.SemaphoreType.DMA,
        ],
    )
    def seg_sum(x_hbm, idx_hbm, out_hbm,
                x_v0, x_v1, i_v0, i_v1, z_v, acc_sh,
                sx0, sx1, si0, si1):
        cid = lax.axis_index("c")
        sid = lax.axis_index("s")
        wid = cid * NS + sid
        base = wid * RW

        zrow = jnp.zeros((16,), jnp.float32)
        for r in range(16):
            for c8 in range(G // 16):
                z_v[r, pl.ds(c8 * 16, 16)] = zrow
        pltpu.sync_copy(z_v, acc_sh.at[pl.ds(sid * 16, 16)])
        plsc.subcore_barrier()

        def start(ch, x_v, i_v, sx, si):
            pltpu.make_async_copy(
                x_hbm.at[pl.ds(base + ch * CHUNK, CHUNK)], x_v, sx).start()
            pltpu.make_async_copy(
                idx_hbm.at[pl.ds(base + ch * CHUNK, CHUNK)], i_v, si).start()

        def wait(x_v, i_v, sx, si):
            pltpu.make_async_copy(
                x_hbm.at[pl.ds(0, CHUNK)], x_v, sx).wait()
            pltpu.make_async_copy(
                idx_hbm.at[pl.ds(0, CHUNK)], i_v, si).wait()

        def flush(x_v, i_v):
            pltpu.sync_copy(x_v, acc_sh.at[i_v], add=True)

        start(0, x_v0, i_v0, sx0, si0)
        start(1, x_v1, i_v1, sx1, si1)

        def body(j, carry):
            c0 = 2 * j
            wait(x_v0, i_v0, sx0, si0)
            flush(x_v0, i_v0)
            start(c0 + 2, x_v0, i_v0, sx0, si0)
            wait(x_v1, i_v1, sx1, si1)
            flush(x_v1, i_v1)
            start(jnp.minimum(c0 + 3, NCH - 1), x_v1, i_v1, sx1, si1)
            return carry

        lax.fori_loop(0, (NCH - 1) // 2, body, 0)
        wait(x_v0, i_v0, sx0, si0)
        flush(x_v0, i_v0)
        wait(x_v1, i_v1, sx1, si1)
        if NCH % 2 == 0:
            flush(x_v1, i_v1)

        plsc.subcore_barrier()
        pltpu.sync_copy(acc_sh.at[pl.ds(sid * 16, 16)],
                        out_hbm.at[cid, pl.ds(sid * 16, 16)])

    return seg_sum


def _tc_partial(*refs):
    ids_refs = refs[0:NSTR]
    x_refs = refs[NSTR:2 * NSTR]
    xb_ref = refs[2 * NSTR]
    i = pl.program_id(0)

    def part(ids_ref, x_ref):
        ids = ids_ref[0, 0, :]
        seg = jax.lax.broadcasted_iota(jnp.int32, (S, BLK), 0)
        mask = (seg == ids[None, :]).astype(jnp.bfloat16)
        x = x_ref[...].astype(jnp.bfloat16)
        return jax.lax.dot_general(
            mask, x, (((1,), (0,)), ((), ())),
            preferred_element_type=jnp.float32)

    partial = part(ids_refs[0], x_refs[0])
    for k in range(1, NSTR):
        partial += part(ids_refs[k], x_refs[k])

    @pl.when(i == 0)
    def _init():
        xb_ref[...] = partial

    @pl.when(i > 0)
    def _acc():
        xb_ref[...] += partial


def _id_map(k):
    return lambda i: (i + TC_OFF + k * H, 0, 0)


def _x_map(k):
    return lambda i: (i + TC_OFF + k * H, 0)


_tc_partial_call = pl.pallas_call(
    _tc_partial,
    grid=(H,),
    in_specs=([pl.BlockSpec((1, 1, BLK), _id_map(k)) for k in range(NSTR)]
              + [pl.BlockSpec((BLK, G), _x_map(k)) for k in range(NSTR)]),
    out_specs=pl.BlockSpec((S, G), lambda i: (0, 0)),
    out_shape=jax.ShapeDtypeStruct((S, G), jnp.float32),
)


def _tc_finish(sc_ref, tc_ref, w_ref, ilr_ref, xb_ref):
    raw = sc_ref[0] + sc_ref[1] + tc_ref[...]
    rs = jnp.sum(raw, axis=1, keepdims=True)
    xb = raw * (SCALE / jnp.clip(rs, 1e-12, None))
    xb_ref[...] = xb
    ilr_ref[...] = jax.lax.dot_general(
        xb, w_ref[...], (((1,), (1,)), ((), ())),
        preferred_element_type=jnp.float32)


_tc_finish_call = pl.pallas_call(
    _tc_finish,
    out_shape=[
        jax.ShapeDtypeStruct((S, T), jnp.float32),
        jax.ShapeDtypeStruct((S, G), jnp.float32),
    ],
)


def kernel(X_batch, batch_idx, W):
    ids = batch_idx.astype(jnp.int32)
    ids3 = ids.reshape(NB_ALL, 1, BLK)
    sc_part = _sc_segment_sum()(X_batch, ids)
    tc_args = [ids3] * NSTR + [X_batch] * NSTR
    tc_part = _tc_partial_call(*tc_args)
    ilr_y, X_bulk = _tc_finish_call(sc_part, tc_part, W)
    return (ilr_y, X_bulk)

# --- scband reference (transcript-rebuilt; emitter-appended) ---
"""Pipeline reference for scband-pseudobulk-linear-proportions-16741782520613 (READ-ONLY COPY).

The authoritative reference and input builder live on the scoring server;
editing this copy changes nothing except your own understanding.
"""

import jax, jax.numpy as jnp
import numpy as np

N = 320000   # cells
G = 128      # genes (gene_dim)
T = 16       # num_targets
S = 256      # number of pseudobulk samples (segments)
SCALE = 1000000.0


def setup_inputs(seed: int = 0) -> dict:
    key = jax.random.key(seed)
    k1, k2, k3 = jax.random.split(key, 3)
    # non-negative expression-like values
    X_batch = jax.random.uniform(k1, (N, G), dtype=jnp.float32)
    # sorted segment ids in [0, S)
    batch_idx = jnp.sort(jax.random.randint(k2, (N,), 0, S, dtype=jnp.int64))
    # Linear(G -> T, bias=False) weight, torch layout [T, G]
    bound = 1.0 / np.sqrt(G)
    W = jax.random.uniform(k3, (T, G), dtype=jnp.float32, minval=-bound, maxval=bound)
    return {"X_batch": X_batch, "batch_idx": batch_idx, "W": W}


def reference(X_batch, batch_idx, W):
    # PseudobulkAggregator(mode='sum'): scatter-add cells into S pseudobulk rows
    X_bulk = jax.ops.segment_sum(X_batch, batch_idx, num_segments=S)
    # RowLibSizeNorm(scale=1e6): row-normalize library size then rescale
    row_sums = jnp.sum(X_bulk, axis=1, keepdims=True)
    X_bulk = X_bulk * (SCALE / jnp.clip(row_sums, 1e-12, None))
    # good_idx is None, covariates is None, scaling=False -> skip
    # Linear(G -> T, bias=False)
    ilr_y = X_bulk @ W.T
    return (ilr_y, X_bulk)

if __name__ == "__main__":
    import jax
    _d = setup_inputs()
    print(jax.jit(kernel)(*tuple(_d.values())))

</pallas_src>

<mosaic_0001>
#map = affine_map<(d0, d1) -> (0, 0)>
#map1 = affine_map<(d0, d1) -> (0)>
#map2 = affine_map<(d0, d1) -> (0, 0, 0)>
module attributes {stable_mosaic.version = 14 : i64} {
  func.func @seg_sum(%arg0: i32, %arg1: i32, %arg2: memref<320000x128xf32, #tpu.memory_space<hbm>>, %arg3: memref<320000xi32, #tpu.memory_space<hbm>>, %arg4: memref<2x256x128xf32, #tpu.memory_space<hbm>>, %arg5: memref<80x128xf32, #tpu.memory_space<vmem>>, %arg6: memref<80x128xf32, #tpu.memory_space<vmem>>, %arg7: memref<80xi32, #tpu.memory_space<vmem>>, %arg8: memref<80xi32, #tpu.memory_space<vmem>>, %arg9: memref<16x128xf32, #tpu.memory_space<vmem>>, %arg10: memref<256x128xf32, #tpu.memory_space<vmem_shared>>, %arg11: memref<!tpu.dma_semaphore, #tpu.memory_space<semaphore_mem>>, %arg12: memref<!tpu.dma_semaphore, #tpu.memory_space<semaphore_mem>>, %arg13: memref<!tpu.dma_semaphore, #tpu.memory_space<semaphore_mem>>, %arg14: memref<!tpu.dma_semaphore, #tpu.memory_space<semaphore_mem>>) attributes {dimension_semantics = [#tpu.dimension_semantics<core_parallel>, #tpu.dimension_semantics<subcore_parallel>], iteration_bounds = array<i64: 2, 16>, scalar_prefetch = 0 : i64, scratch_operands = 10 : i64, tpu.core_type = #tpu.core_type<sc_vector_subcore>, window_params = [{transform_indices = #map}, {transform_indices = #map1}, {transform_indices = #map2}]} {
    %mul3A = arith.constant 16 : i32
    %mul3A_0 = arith.muli %arg0, %mul3A : i32
    %add3A = arith.addi %mul3A_0, %arg1 : i32
    %mul3A_1 = arith.constant 2000 : i32
    %mul3A_2 = arith.muli %add3A, %mul3A_1 : i32
    %broadcast_in_dim3A = arith.constant 0.000000e+00 : f32
    %broadcast_in_dim3A_3 = vector.broadcast %broadcast_in_dim3A : f32 to vector<16xf32>
    %swap3A = arith.constant 0 : i32
    %swap3A_4 = arith.index_cast %swap3A : i32 to index
    %swap3A_5 = arith.constant 0 : index
    %swap3A_6 = tpu.vector_load %arg9[%swap3A_4, %swap3A_5] {strides = array<i32>} : memref<16x128xf32, #tpu.memory_space<vmem>>, vector<1x16xf32>,
    %swap3A_7 = vector.shape_cast %swap3A_6 : vector<1x16xf32> to vector<16xf32>
    %swap3A_8 = vector.shape_cast %broadcast_in_dim3A_3 : vector<16xf32> to vector<1x16xf32>
    tpu.vector_store %arg9[%swap3A_4, %swap3A_5], %swap3A_8 {strides = array<i32>} : memref<16x128xf32, #tpu.memory_space<vmem>>, vector<1x16xf32>,
    %swap3A_9 = arith.constant 0 : i32
    %swap3A_10 = arith.index_cast %swap3A_9 : i32 to index
    %swap3A_11 = arith.constant 16 : index
    %swap3A_12 = tpu.vector_load %arg9[%swap3A_10, %swap3A_11] {strides = array<i32>} : memref<16x128xf32, #tpu.memory_space<vmem>>, vector<1x16xf32>,
    %swap3A_13 = vector.shape_cast %swap3A_12 : vector<1x16xf32> to vector<16xf32>
    %swap3A_14 = vector.shape_cast %broadcast_in_dim3A_3 : vector<16xf32> to vector<1x16xf32>
    tpu.vector_store %arg9[%swap3A_10, %swap3A_11], %swap3A_14 {strides = array<i32>} : memref<16x128xf32, #tpu.memory_space<vmem>>, vector<1x16xf32>,
    %swap3A_15 = arith.constant 0 : i32
    %swap3A_16 = arith.index_cast %swap3A_15 : i32 to index
    %swap3A_17 = arith.constant 32 : index
    %swap3A_18 = tpu.vector_load %arg9[%swap3A_16, %swap3A_17] {strides = array<i32>} : memref<16x128xf32, #tpu.memory_space<vmem>>, vector<1x16xf32>,
    %swap3A_19 = vector.shape_cast %swap3A_18 : vector<1x16xf32> to vector<16xf32>
    %swap3A_20 = vector.shape_cast %broadcast_in_dim3A_3 : vector<16xf32> to vector<1x16xf32>
    tpu.vector_store %arg9[%swap3A_16, %swap3A_17], %swap3A_20 {strides = array<i32>} : memref<16x128xf32, #tpu.memory_space<vmem>>, vector<1x16xf32>,
    %swap3A_21 = arith.constant 0 : i32
    %swap3A_22 = arith.index_cast %swap3A_21 : i32 to index
    %swap3A_23 = arith.constant 48 : index
    %swap3A_24 = tpu.vector_load %arg9[%swap3A_22, %swap3A_23] {strides = array<i32>} : memref<16x128xf32, #tpu.memory_space<vmem>>, vector<1x16xf32>,
    %swap3A_25 = vector.shape_cast %swap3A_24 : vector<1x16xf32> to vector<16xf32>
    %swap3A_26 = vector.shape_cast %broadcast_in_dim3A_3 : vector<16xf32> to vector<1x16xf32>
    tpu.vector_store %arg9[%swap3A_22, %swap3A_23], %swap3A_26 {strides = array<i32>} : memref<16x128xf32, #tpu.memory_space<vmem>>, vector<1x16xf32>,
    %swap3A_27 = arith.constant 0 : i32
    %swap3A_28 = arith.index_cast %swap3A_27 : i32 to index
    %swap3A_29 = arith.constant 64 : index
    %swap3A_30 = tpu.vector_load %arg9[%swap3A_28, %swap3A_29] {strides = array<i32>} : memref<16x128xf32, #tpu.memory_space<vmem>>, vector<1x16xf32>,
    %swap3A_31 = vector.shape_cast %swap3A_30 : vector<1x16xf32> to vector<16xf32>
    %swap3A_32 = vector.shape_cast %broadcast_in_dim3A_3 : vector<16xf32> to vector<1x16xf32>
    tpu.vector_store %arg9[%swap3A_28, %swap3A_29], %swap3A_32 {strides = array<i32>} : memref<16x128xf32, #tpu.memory_space<vmem>>, vector<1x16xf32>,
    %swap3A_33 = arith.constant 0 : i32
    %swap3A_34 = arith.index_cast %swap3A_33 : i32 to index
    %swap3A_35 = arith.constant 80 : index
    %swap3A_36 = tpu.vector_load %arg9[%swap3A_34, %swap3A_35] {strides = array<i32>} : memref<16x128xf32, #tpu.memory_space<vmem>>, vector<1x16xf32>,
    %swap3A_37 = vector.shape_cast %swap3A_36 : vector<1x16xf32> to vector<16xf32>
    %swap3A_38 = vector.shape_cast %broadcast_in_dim3A_3 : vector<16xf32> to vector<1x16xf32>
    tpu.vector_store %arg9[%swap3A_34, %swap3A_35], %swap3A_38 {strides = array<i32>} : memref<16x128xf32, #tpu.memory_space<vmem>>, vector<1x16xf32>,
    %swap3A_39 = arith.constant 0 : i32
    %swap3A_40 = arith.index_cast %swap3A_39 : i32 to index
    %swap3A_41 = arith.constant 96 : index
    %swap3A_42 = tpu.vector_load %arg9[%swap3A_40, %swap3A_41] {strides = array<i32>} : memref<16x128xf32, #tpu.memory_space<vmem>>, vector<1x16xf32>,
    %swap3A_43 = vector.shape_cast %swap3A_42 : vector<1x16xf32> to vector<16xf32>
    %swap3A_44 = vector.shape_cast %broadcast_in_dim3A_3 : vector<16xf32> to vector<1x16xf32>
    tpu.vector_store %arg9[%swap3A_40, %swap3A_41], %swap3A_44 {strides = array<i32>} : memref<16x128xf32, #tpu.memory_space<vmem>>, vector<1x16xf32>,
    %swap3A_45 = arith.constant 0 : i32
    %swap3A_46 = arith.index_cast %swap3A_45 : i32 to index
    %swap3A_47 = arith.constant 112 : index
    %swap3A_48 = tpu.vector_load %arg9[%swap3A_46, %swap3A_47] {strides = array<i32>} : memref<16x128xf32, #tpu.memory_space<vmem>>, vector<1x16xf32>,
    %swap3A_49 = vector.shape_cast %swap3A_48 : vector<1x16xf32> to vector<16xf32>
    %swap3A_50 = vector.shape_cast %broadcast_in_dim3A_3 : vector<16xf32> to vector<1x16xf32>
    tpu.vector_store %arg9[%swap3A_46, %swap3A_47], %swap3A_50 {strides = array<i32>} : memref<16x128xf32, #tpu.memory_space<vmem>>, vector<1x16xf32>,
    %swap3A_51 = arith.constant 1 : i32
    %swap3A_52 = arith.index_cast %swap3A_51 : i32 to index
    %swap3A_53 = arith.constant 0 : index
    %swap3A_54 = tpu.vector_load %arg9[%swap3A_52, %swap3A_53] {strides = array<i32>} : memref<16x128xf32, #tpu.memory_space<vmem>>, vector<1x16xf32>,
    %swap3A_55 = vector.shape_cast %swap3A_54 : vector<1x16xf32> to vector<16xf32>
    %swap3A_56 = vector.shape_cast %broadcast_in_dim3A_3 : vector<16xf32> to vector<1x16xf32>
    tpu.vector_store %arg9[%swap3A_52, %swap3A_53], %swap3A_56 {strides = array<i32>} : memref<16x128xf32, #tpu.memory_space<vmem>>, vector<1x16xf32>,
    %swap3A_57 = arith.constant 1 : i32
    %swap3A_58 = arith.index_cast %swap3A_57 : i32 to index
    %swap3A_59 = arith.constant 16 : index
    %swap3A_60 = tpu.vector_load %arg9[%swap3A_58, %swap3A_59] {strides = array<i32>} : memref<16x128xf32, #tpu.memory_space<vmem>>, vector<1x16xf32>,
    %swap3A_61 = vector.shape_cast %swap3A_60 : vector<1x16xf32> to vector<16xf32>
    %swap3A_62 = vector.shape_cast %broadcast_in_dim3A_3 : vector<16xf32> to vector<1x16xf32>
    tpu.vector_store %arg9[%swap3A_58, %swap3A_59], %swap3A_62 {strides = array<i32>} : memref<16x128xf32, #tpu.memory_space<vmem>>, vector<1x16xf32>,
    %swap3A_63 = arith.constant 1 : i32
    %swap3A_64 = arith.index_cast %swap3A_63 : i32 to index
    %swap3A_65 = arith.constant 32 : index
    %swap3A_66 = tpu.vector_load %arg9[%swap3A_64, %swap3A_65] {strides = array<i32>} : memref<16x128xf32, #tpu.memory_space<vmem>>, vector<1x16xf32>,
    %swap3A_67 = vector.shape_cast %swap3A_66 : vector<1x16xf32> to vector<16xf32>
    %swap3A_68 = vector.shape_cast %broadcast_in_dim3A_3 : vector<16xf32> to vector<1x16xf32>
    tpu.vector_store %arg9[%swap3A_64, %swap3A_65], %swap3A_68 {strides = array<i32>} : memref<16x128xf32, #tpu.memory_space<vmem>>, vector<1x16xf32>,
    %swap3A_69 = arith.constant 1 : i32
    %swap3A_70 = arith.index_cast %swap3A_69 : i32 to index
    %swap3A_71 = arith.constant 48 : index
    %swap3A_72 = tpu.vector_load %arg9[%swap3A_70, %swap3A_71] {strides = array<i32>} : memref<16x128xf32, #tpu.memory_space<vmem>>, vector<1x16xf32>,
    %swap3A_73 = vector.shape_cast %swap3A_72 : vector<1x16xf32> to vector<16xf32>
    %swap3A_74 = vector.shape_cast %broadcast_in_dim3A_3 : vector<16xf32> to vector<1x16xf32>
    tpu.vector_store %arg9[%swap3A_70, %swap3A_71], %swap3A_74 {strides = array<i32>} : memref<16x128xf32, #tpu.memory_space<vmem>>, vector<1x16xf32>,
    %swap3A_75 = arith.constant 1 : i32
    %swap3A_76 = arith.index_cast %swap3A_75 : i32 to index
    %swap3A_77 = arith.constant 64 : index
    %swap3A_78 = tpu.vector_load %arg9[%swap3A_76, %swap3A_77] {strides = array<i32>} : memref<16x128xf32, #tpu.memory_space<vmem>>, vector<1x16xf32>,
    %swap3A_79 = vector.shape_cast %swap3A_78 : vector<1x16xf32> to vector<16xf32>
    %swap3A_80 = vector.shape_cast %broadcast_in_dim3A_3 : vector<16xf32> to vector<1x16xf32>
    tpu.vector_store %arg9[%swap3A_76, %swap3A_77], %swap3A_80 {strides = array<i32>} : memref<16x128xf32, #tpu.memory_space<vmem>>, vector<1x16xf32>,
    %swap3A_81 = arith.constant 1 : i32
    %swap3A_82 = arith.index_cast %swap3A_81 : i32 to index
    %swap3A_83 = arith.constant 80 : index
    %swap3A_84 = tpu.vector_load %arg9[%swap3A_82, %swap3A_83] {strides = array<i32>} : memref<16x128xf32, #tpu.memory_space<vmem>>, vector<1x16xf32>,
    %swap3A_85 = vector.shape_cast %swap3A_84 : vector<1x16xf32> to vector<16xf32>
    %swap3A_86 = vector.shape_cast %broadcast_in_dim3A_3 : vector<16xf32> to vector<1x16xf32>
    tpu.vector_store %arg9[%swap3A_82, %swap3A_83], %swap3A_86 {strides = array<i32>} : memref<16x128xf32, #tpu.memory_space<vmem>>, vector<1x16xf32>,
    %swap3A_87 = arith.constant 1 : i32
    %swap3A_88 = arith.index_cast %swap3A_87 : i32 to index
    %swap3A_89 = arith.constant 96 : index
    %swap3A_90 = tpu.vector_load %arg9[%swap3A_88, %swap3A_89] {strides = array<i32>} : memref<16x128xf32, #tpu.memory_space<vmem>>, vector<1x16xf32>,
    %swap3A_91 = vector.shape_cast %swap3A_90 : vector<1x16xf32> to vector<16xf32>
    %swap3A_92 = vector.shape_cast %broadcast_in_dim3A_3 : vector<16xf32> to vector<1x16xf32>
    tpu.vector_store %arg9[%swap3A_88, %swap3A_89], %swap3A_92 {strides = array<i32>} : memref<16x128xf32, #tpu.memory_space<vmem>>, vector<1x16xf32>,
    %swap3A_93 = arith.constant 1 : i32
    %swap3A_94 = arith.index_cast %swap3A_93 : i32 to index
    %swap3A_95 = arith.constant 112 : index
    %swap3A_96 = tpu.vector_load %arg9[%swap3A_94, %swap3A_95] {strides = array<i32>} : memref<16x128xf32, #tpu.memory_space<vmem>>, vector<1x16xf32>,
    %swap3A_97 = vector.shape_cast %swap3A_96 : vector<1x16xf32> to vector<16xf32>
    %swap3A_98 = vector.shape_cast %broadcast_in_dim3A_3 : vector<16xf32> to vector<1x16xf32>
    tpu.vector_store %arg9[%swap3A_94, %swap3A_95], %swap3A_98 {strides = array<i32>} : memref<16x128xf32, #tpu.memory_space<vmem>>, vector<1x16xf32>,
    %swap3A_99 = arith.constant 2 : i32
    %swap3A_100 = arith.index_cast %swap3A_99 : i32 to index
    %swap3A_101 = arith.constant 0 : index
    %swap3A_102 = tpu.vector_load %arg9[%swap3A_100, %swap3A_101] {strides = array<i32>} : memref<16x128xf32, #tpu.memory_space<vmem>>, vector<1x16xf32>,
    %swap3A_103 = vector.shape_cast %swap3A_102 : vector<1x16xf32> to vector<16xf32>
    %swap3A_104 = vector.shape_cast %broadcast_in_dim3A_3 : vector<16xf32> to vector<1x16xf32>
    tpu.vector_store %arg9[%swap3A_100, %swap3A_101], %swap3A_104 {strides = array<i32>} : memref<16x128xf32, #tpu.memory_space<vmem>>, vector<1x16xf32>,
    %swap3A_105 = arith.constant 2 : i32
    %swap3A_106 = arith.index_cast %swap3A_105 : i32 to index
    %swap3A_107 = arith.constant 16 : index
    %swap3A_108 = tpu.vector_load %arg9[%swap3A_106, %swap3A_107] {strides = array<i32>} : memref<16x128xf32, #tpu.memory_space<vmem>>, vector<1x16xf32>,
    %swap3A_109 = vector.shape_cast %swap3A_108 : vector<1x16xf32> to vector<16xf32>
    %swap3A_110 = vector.shape_cast %broadcast_in_dim3A_3 : vector<16xf32> to vector<1x16xf32>
    tpu.vector_store %arg9[%swap3A_106, %swap3A_107], %swap3A_110 {strides = array<i32>} : memref<16x128xf32, #tpu.memory_space<vmem>>, vector<1x16xf32>,
    %swap3A_111 = arith.constant 2 : i32
    %swap3A_112 = arith.index_cast %swap3A_111 : i32 to index
    %swap3A_113 = arith.constant 32 : index
    %swap3A_114 = tpu.vector_load %arg9[%swap3A_112, %swap3A_113] {strides = array<i32>} : memref<16x128xf32, #tpu.memory_space<vmem>>, vector<1x16xf32>,
    %swap3A_115 = vector.shape_cast %swap3A_114 : vector<1x16xf32> to vector<16xf32>
    %swap3A_116 = vector.shape_cast %broadcast_in_dim3A_3 : vector<16xf32> to vector<1x16xf32>
    tpu.vector_store %arg9[%swap3A_112, %swap3A_113], %swap3A_116 {strides = array<i32>} : memref<16x128xf32, #tpu.memory_space<vmem>>, vector<1x16xf32>,
    %swap3A_117 = arith.constant 2 : i32
    %swap3A_118 = arith.index_cast %swap3A_117 : i32 to index
    %swap3A_119 = arith.constant 48 : index
    %swap3A_120 = tpu.vector_load %arg9[%swap3A_118, %swap3A_119] {strides = array<i32>} : memref<16x128xf32, #tpu.memory_space<vmem>>, vector<1x16xf32>,
    %swap3A_121 = vector.shape_cast %swap3A_120 : vector<1x16xf32> to vector<16xf32>
    %swap3A_122 = vector.shape_cast %broadcast_in_dim3A_3 : vector<16xf32> to vector<1x16xf32>
    tpu.vector_store %arg9[%swap3A_118, %swap3A_119], %swap3A_122 {strides = array<i32>} : memref<16x128xf32, #tpu.memory_space<vmem>>, vector<1x16xf32>,
    %swap3A_123 = arith.constant 2 : i32
    %swap3A_124 = arith.index_cast %swap3A_123 : i32 to index
    %swap3A_125 = arith.constant 64 : index
    %swap3A_126 = tpu.vector_load %arg9[%swap3A_124, %swap3A_125] {strides = array<i32>} : memref<16x128xf32, #tpu.memory_space<vmem>>, vector<1x16xf32>,
    %swap3A_127 = vector.shape_cast %swap3A_126 : vector<1x16xf32> to vector<16xf32>
    %swap3A_128 = vector.shape_cast %broadcast_in_dim3A_3 : vector<16xf32> to vector<1x16xf32>
    tpu.vector_store %arg9[%swap3A_124, %swap3A_125], %swap3A_128 {strides = array<i32>} : memref<16x128xf32, #tpu.memory_space<vmem>>, vector<1x16xf32>,
    %swap3A_129 = arith.constant 2 : i32
    %swap3A_130 = arith.index_cast %swap3A_129 : i32 to index
    %swap3A_131 = arith.constant 80 : index
    %swap3A_132 = tpu.vector_load %arg9[%swap3A_130, %swap3A_131] {strides = array<i32>} : memref<16x128xf32, #tpu.memory_space<vmem>>, vector<1x16xf32>,
    %swap3A_133 = vector.shape_cast %swap3A_132 : vector<1x16xf32> to vector<16xf32>
    %swap3A_134 = vector.shape_cast %broadcast_in_dim3A_3 : vector<16xf32> to vector<1x16xf32>
    tpu.vector_store %arg9[%swap3A_130, %swap3A_131], %swap3A_134 {strides = array<i32>} : memref<16x128xf32, #tpu.memory_space<vmem>>, vector<1x16xf32>,
    %swap3A_135 = arith.constant 2 : i32
    %swap3A_136 = arith.index_cast %swap3A_135 : i32 to index
    %swap3A_137 = arith.constant 96 : index
    %swap3A_138 = tpu.vector_load %arg9[%swap3A_136, %swap3A_137] {strides = array<i32>} : memref<16x128xf32, #tpu.memory_space<vmem>>, vector<1x16xf32>,
    %swap3A_139 = vector.shape_cast %swap3A_138 : vector<1x16xf32> to vector<16xf32>
    %swap3A_140 = vector.shape_cast %broadcast_in_dim3A_3 : vector<16xf32> to vector<1x16xf32>
    tpu.vector_store %arg9[%swap3A_136, %swap3A_137], %swap3A_140 {strides = array<i32>} : memref<16x128xf32, #tpu.memory_space<vmem>>, vector<1x16xf32>,
    %swap3A_141 = arith.constant 2 : i32
    %swap3A_142 = arith.index_cast %swap3A_141 : i32 to index
    %swap3A_143 = arith.constant 112 : index
    %swap3A_144 = tpu.vector_load %arg9[%swap3A_142, %swap3A_143] {strides = array<i32>} : memref<16x128xf32, #tpu.memory_space<vmem>>, vector<1x16xf32>,
    %swap3A_145 = vector.shape_cast %swap3A_144 : vector<1x16xf32> to vector<16xf32>
    %swap3A_146 = vector.shape_cast %broadcast_in_dim3A_3 : vector<16xf32> to vector<1x16xf32>
    tpu.vector_store %arg9[%swap3A_142, %swap3A_143], %swap3A_146 {strides = array<i32>} : memref<16x128xf32, #tpu.memory_space<vmem>>, vector<1x16xf32>,
    %swap3A_147 = arith.constant 3 : i32
    %swap3A_148 = arith.index_cast %swap3A_147 : i32 to index
    %swap3A_149 = arith.constant 0 : index
    %swap3A_150 = tpu.vector_load %arg9[%swap3A_148, %swap3A_149] {strides = array<i32>} : memref<16x128xf32, #tpu.memory_space<vmem>>, vector<1x16xf32>,
    %swap3A_151 = vector.shape_cast %swap3A_150 : vector<1x16xf32> to vector<16xf32>
    %swap3A_152 = vector.shape_cast %broadcast_in_dim3A_3 : vector<16xf32> to vector<1x16xf32>
    tpu.vector_store %arg9[%swap3A_148, %swap3A_149], %swap3A_152 {strides = array<i32>} : memref<16x128xf32, #tpu.memory_space<vmem>>, vector<1x16xf32>,
    %swap3A_153 = arith.constant 3 : i32
    %swap3A_154 = arith.index_cast %swap3A_153 : i32 to index
    %swap3A_155 = arith.constant 16 : index
    %swap3A_156 = tpu.vector_load %arg9[%swap3A_154, %swap3A_155] {strides = array<i32>} : memref<16x128xf32, #tpu.memory_space<vmem>>, vector<1x16xf32>,
    %swap3A_157 = vector.shape_cast %swap3A_156 : vector<1x16xf32> to vector<16xf32>
    %swap3A_158 = vector.shape_cast %broadcast_in_dim3A_3 : vector<16xf32> to vector<1x16xf32>
    tpu.vector_store %arg9[%swap3A_154, %swap3A_155], %swap3A_158 {strides = array<i32>} : memref<16x128xf32, #tpu.memory_space<vmem>>, vector<1x16xf32>,
    %swap3A_159 = arith.constant 3 : i32
    %swap3A_160 = arith.index_cast %swap3A_159 : i32 to index
    %swap3A_161 = arith.constant 32 : index
    %swap3A_162 = tpu.vector_load %arg9[%swap3A_160, %swap3A_161] {strides = array<i32>} : memref<16x128xf32, #tpu.memory_space<vmem>>, vector<1x16xf32>,
    %swap3A_163 = vector.shape_cast %swap3A_162 : vector<1x16xf32> to vector<16xf32>
    %swap3A_164 = vector.shape_cast %broadcast_in_dim3A_3 : vector<16xf32> to vector<1x16xf32>
    tpu.vector_store %arg9[%swap3A_160, %swap3A_161], %swap3A_164 {strides = array<i32>} : memref<16x128xf32, #tpu.memory_space<vmem>>, vector<1x16xf32>,
    %swap3A_165 = arith.constant 3 : i32
    %swap3A_166 = arith.index_cast %swap3A_165 : i32 to index
    %swap3A_167 = arith.constant 48 : index
    %swap3A_168 = tpu.vector_load %arg9[%swap3A_166, %swap3A_167] {strides = array<i32>} : memref<16x128xf32, #tpu.memory_space<vmem>>, vector<1x16xf32>,
    %swap3A_169 = vector.shape_cast %swap3A_168 : vector<1x16xf32> to vector<16xf32>
    %swap3A_170 = vector.shape_cast %broadcast_in_dim3A_3 : vector<16xf32> to vector<1x16xf32>
    tpu.vector_store %arg9[%swap3A_166, %swap3A_167], %swap3A_170 {strides = array<i32>} : memref<16x128xf32, #tpu.memory_space<vmem>>, vector<1x16xf32>,
    %swap3A_171 = arith.constant 3 : i32
    %swap3A_172 = arith.index_cast %swap3A_171 : i32 to index
    %swap3A_173 = arith.constant 64 : index
    %swap3A_174 = tpu.vector_load %arg9[%swap3A_172, %swap3A_173] {strides = array<i32>} : memref<16x128xf32, #tpu.memory_space<vmem>>, vector<1x16xf32>,
    %swap3A_175 = vector.shape_cast %swap3A_174 : vector<1x16xf32> to vector<16xf32>
    %swap3A_176 = vector.shape_cast %broadcast_in_dim3A_3 : vector<16xf32> to vector<1x16xf32>
    tpu.vector_store %arg9[%swap3A_172, %swap3A_173], %swap3A_176 {strides = array<i32>} : memref<16x128xf32, #tpu.memory_space<vmem>>, vector<1x16xf32>,
    %swap3A_177 = arith.constant 3 : i32
    %swap3A_178 = arith.index_cast %swap3A_177 : i32 to index
    %swap3A_179 = arith.constant 80 : index
    %swap3A_180 = tpu.vector_load %arg9[%swap3A_178, %swap3A_179] {strides = array<i32>} : memref<16x128xf32, #tpu.memory_space<vmem>>, vector<1x16xf32>,
    %swap3A_181 = vector.shape_cast %swap3A_180 : vector<1x16xf32> to vector<16xf32>
    %swap3A_182 = vector.shape_cast %broadcast_in_dim3A_3 : vector<16xf32> to vector<1x16xf32>
    tpu.vector_store %arg9[%swap3A_178, %swap3A_179], %swap3A_182 {strides = array<i32>} : memref<16x128xf32, #tpu.memory_space<vmem>>, vector<1x16xf32>,
    %swap3A_183 = arith.constant 3 : i32
    %swap3A_184 = arith.index_cast %swap3A_183 : i32 to index
    %swap3A_185 = arith.constant 96 : index
    %swap3A_186 = tpu.vector_load %arg9[%swap3A_184, %swap3A_185] {strides = array<i32>} : memref<16x128xf32, #tpu.memory_space<vmem>>, vector<1x16xf32>,
    %swap3A_187 = vector.shape_cast %swap3A_186 : vector<1x16xf32> to vector<16xf32>
    %swap3A_188 = vector.shape_cast %broadcast_in_dim3A_3 : vector<16xf32> to vector<1x16xf32>
    tpu.vector_store %arg9[%swap3A_184, %swap3A_185], %swap3A_188 {strides = array<i32>} : memref<16x128xf32, #tpu.memory_space<vmem>>, vector<1x16xf32>,
    %swap3A_189 = arith.constant 3 : i32
    %swap3A_190 = arith.index_cast %swap3A_189 : i32 to index
    %swap3A_191 = arith.constant 112 : index
    %swap3A_192 = tpu.vector_load %arg9[%swap3A_190, %swap3A_191] {strides = array<i32>} : memref<16x128xf32, #tpu.memory_space<vmem>>, vector<1x16xf32>,
    %swap3A_193 = vector.shape_cast %swap3A_192 : vector<1x16xf32> to vector<16xf32>
    %swap3A_194 = vector.shape_cast %broadcast_in_dim3A_3 : vector<16xf32> to vector<1x16xf32>
    tpu.vector_store %arg9[%swap3A_190, %swap3A_191], %swap3A_194 {strides = array<i32>} : memref<16x128xf32, #tpu.memory_space<vmem>>, vector<1x16xf32>,
    %swap3A_195 = arith.constant 4 : i32
    %swap3A_196 = arith.index_cast %swap3A_195 : i32 to index
    %swap3A_197 = arith.constant 0 : index
    %swap3A_198 = tpu.vector_load %arg9[%swap3A_196, %swap3A_197] {strides = array<i32>} : memref<16x128xf32, #tpu.memory_space<vmem>>, vector<1x16xf32>,
    %swap3A_199 = vector.shape_cast %swap3A_198 : vector<1x16xf32> to vector<16xf32>
    %swap3A_200 = vector.shape_cast %broadcast_in_dim3A_3 : vector<16xf32> to vector<1x16xf32>
    tpu.vector_store %arg9[%swap3A_196, %swap3A_197], %swap3A_200 {strides = array<i32>} : memref<16x128xf32, #tpu.memory_space<vmem>>, vector<1x16xf32>,
    %swap3A_201 = arith.constant 4 : i32
    %swap3A_202 = arith.index_cast %swap3A_201 : i32 to index
    %swap3A_203 = arith.constant 16 : index
    %swap3A_204 = tpu.vector_load %arg9[%swap3A_202, %swap3A_203] {strides = array<i32>} : memref<16x128xf32, #tpu.memory_space<vmem>>, vector<1x16xf32>,
    %swap3A_205 = vector.shape_cast %swap3A_204 : vector<1x16xf32> to vector<16xf32>
    %swap3A_206 = vector.shape_cast %broadcast_in_dim3A_3 : vector<16xf32> to vector<1x16xf32>
    tpu.vector_store %arg9[%swap3A_202, %swap3A_203], %swap3A_206 {strides = array<i32>} : memref<16x128xf32, #tpu.memory_space<vmem>>, vector<1x16xf32>,
    %swap3A_207 = arith.constant 4 : i32
    %swap3A_208 = arith.index_cast %swap3A_207 : i32 to index
    %swap3A_209 = arith.constant 32 : index
    %swap3A_210 = tpu.vector_load %arg9[%swap3A_208, %swap3A_209] {strides = array<i32>} : memref<16x128xf32, #tpu.memory_space<vmem>>, vector<1x16xf32>,
    %swap3A_211 = vector.shape_cast %swap3A_210 : vector<1x16xf32> to vector<16xf32>
    %swap3A_212 = vector.shape_cast %broadcast_in_dim3A_3 : vector<16xf32> to vector<1x16xf32>
    tpu.vector_store %arg9[%swap3A_208, %swap3A_209], %swap3A_212 {strides = array<i32>} : memref<16x128xf32, #tpu.memory_space<vmem>>, vector<1x16xf32>,
    %swap3A_213 = arith.constant 4 : i32
    %swap3A_214 = arith.index_cast %swap3A_213 : i32 to index
    %swap3A_215 = arith.constant 48 : index
    %swap3A_216 = tpu.vector_load %arg9[%swap3A_214, %swap3A_215] {strides = array<i32>} : memref<16x128xf32, #tpu.memory_space<vmem>>, vector<1x16xf32>,
    %swap3A_217 = vector.shape_cast %swap3A_216 : vector<1x16xf32> to vector<16xf32>
    %swap3A_218 = vector.shape_cast %broadcast_in_dim3A_3 : vector<16xf32> to vector<1x16xf32>
    tpu.vector_store %arg9[%swap3A_214, %swap3A_215], %swap3A_218 {strides = array<i32>} : memref<16x128xf32, #tpu.memory_space<vmem>>, vector<1x16xf32>,
    %swap3A_219 = arith.constant 4 : i32
    %swap3A_220 = arith.index_cast %swap3A_219 : i32 to index
    %swap3A_221 = arith.constant 64 : index
    %swap3A_222 = tpu.vector_load %arg9[%swap3A_220, %swap3A_221] {strides = array<i32>} : memref<16x128xf32, #tpu.memory_space<vmem>>, vector<1x16xf32>,
    %swap3A_223 = vector.shape_cast %swap3A_222 : vector<1x16xf32> to vector<16xf32>
    %swap3A_224 = vector.shape_cast %broadcast_in_dim3A_3 : vector<16xf32> to vector<1x16xf32>
    tpu.vector_store %arg9[%swap3A_220, %swap3A_221], %swap3A_224 {strides = array<i32>} : memref<16x128xf32, #tpu.memory_space<vmem>>, vector<1x16xf32>,
    %swap3A_225 = arith.constant 4 : i32
    %swap3A_226 = arith.index_cast %swap3A_225 : i32 to index
    %swap3A_227 = arith.constant 80 : index
    %swap3A_228 = tpu.vector_load %arg9[%swap3A_226, %swap3A_227] {strides = array<i32>} : memref<16x128xf32, #tpu.memory_space<vmem>>, vector<1x16xf32>,
    %swap3A_229 = vector.shape_cast %swap3A_228 : vector<1x16xf32> to vector<16xf32>
    %swap3A_230 = vector.shape_cast %broadcast_in_dim3A_3 : vector<16xf32> to vector<1x16xf32>
    tpu.vector_store %arg9[%swap3A_226, %swap3A_227], %swap3A_230 {strides = array<i32>} : memref<16x128xf32, #tpu.memory_space<vmem>>, vector<1x16xf32>,
    %swap3A_231 = arith.constant 4 : i32
    %swap3A_232 = arith.index_cast %swap3A_231 : i32 to index
    %swap3A_233 = arith.constant 96 : index
    %swap3A_234 = tpu.vector_load %arg9[%swap3A_232, %swap3A_233] {strides = array<i32>} : memref<16x128xf32, #tpu.memory_space<vmem>>, vector<1x16xf32>,
    %swap3A_235 = vector.shape_cast %swap3A_234 : vector<1x16xf32> to vector<16xf32>
    %swap3A_236 = vector.shape_cast %broadcast_in_dim3A_3 : vector<16xf32> to vector<1x16xf32>
    tpu.vector_store %arg9[%swap3A_232, %swap3A_233], %swap3A_236 {strides = array<i32>} : memref<16x128xf32, #tpu.memory_space<vmem>>, vector<1x16xf32>,
    %swap3A_237 = arith.constant 4 : i32
    %swap3A_238 = arith.index_cast %swap3A_237 : i32 to index
    %swap3A_239 = arith.constant 112 : index
    %swap3A_240 = tpu.vector_load %arg9[%swap3A_238, %swap3A_239] {strides = array<i32>} : memref<16x128xf32, #tpu.memory_space<vmem>>, vector<1x16xf32>,
    %swap3A_241 = vector.shape_cast %swap3A_240 : vector<1x16xf32> to vector<16xf32>
    %swap3A_242 = vector.shape_cast %broadcast_in_dim3A_3 : vector<16xf32> to vector<1x16xf32>
    tpu.vector_store %arg9[%swap3A_238, %swap3A_239], %swap3A_242 {strides = array<i32>} : memref<16x128xf32, #tpu.memory_space<vmem>>, vector<1x16xf32>,
    %swap3A_243 = arith.constant 5 : i32
    %swap3A_244 = arith.index_cast %swap3A_243 : i32 to index
    %swap3A_245 = arith.constant 0 : index
    %swap3A_246 = tpu.vector_load %arg9[%swap3A_244, %swap3A_245] {strides = array<i32>} : memref<16x128xf32, #tpu.memory_space<vmem>>, vector<1x16xf32>,
    %swap3A_247 = vector.shape_cast %swap3A_246 : vector<1x16xf32> to vector<16xf32>
    %swap3A_248 = vector.shape_cast %broadcast_in_dim3A_3 : vector<16xf32> to vector<1x16xf32>
    tpu.vector_store %arg9[%swap3A_244, %swap3A_245], %swap3A_248 {strides = array<i32>} : memref<16x128xf32, #tpu.memory_space<vmem>>, vector<1x16xf32>,
    %swap3A_249 = arith.constant 5 : i32
    %swap3A_250 = arith.index_cast %swap3A_249 : i32 to index
    %swap3A_251 = arith.constant 16 : index
    %swap3A_252 = tpu.vector_load %arg9[%swap3A_250, %swap3A_251] {strides = array<i32>} : memref<16x128xf32, #tpu.memory_space<vmem>>, vector<1x16xf32>,
    %swap3A_253 = vector.shape_cast %swap3A_252 : vector<1x16xf32> to vector<16xf32>
    %swap3A_254 = vector.shape_cast %broadcast_in_dim3A_3 : vector<16xf32> to vector<1x16xf32>
    tpu.vector_store %arg9[%swap3A_250, %swap3A_251], %swap3A_254 {strides = array<i32>} : memref<16x128xf32, #tpu.memory_space<vmem>>, vector<1x16xf32>,
    %swap3A_255 = arith.constant 5 : i32
    %swap3A_256 = arith.index_cast %swap3A_255 : i32 to index
    %swap3A_257 = arith.constant 32 : index
    %swap3A_258 = tpu.vector_load %arg9[%swap3A_256, %swap3A_257] {strides = array<i32>} : memref<16x128xf32, #tpu.memory_space<vmem>>, vector<1x16xf32>,
    %swap3A_259 = vector.shape_cast %swap3A_258 : vector<1x16xf32> to vector<16xf32>
    %swap3A_260 = vector.shape_cast %broadcast_in_dim3A_3 : vector<16xf32> to vector<1x16xf32>
    tpu.vector_store %arg9[%swap3A_256, %swap3A_257], %swap3A_260 {strides = array<i32>} : memref<16x128xf32, #tpu.memory_space<vmem>>, vector<1x16xf32>,
    %swap3A_261 = arith.constant 5 : i32
    %swap3A_262 = arith.index_cast %swap3A_261 : i32 to index
    %swap3A_263 = arith.constant 48 : index
    %swap3A_264 = tpu.vector_load %arg9[%swap3A_262, %swap3A_263] {strides = array<i32>} : memref<16x128xf32, #tpu.memory_space<vmem>>, vector<1x16xf32>,
    %swap3A_265 = vector.shape_cast %swap3A_264 : vector<1x16xf32> to vector<16xf32>
    %swap3A_266 = vector.shape_cast %broadcast_in_dim3A_3 : vector<16xf32> to vector<1x16xf32>
    tpu.vector_store %arg9[%swap3A_262, %swap3A_263], %swap3A_266 {strides = array<i32>} : memref<16x128xf32, #tpu.memory_space<vmem>>, vector<1x16xf32>,
    %swap3A_267 = arith.constant 5 : i32
    %swap3A_268 = arith.index_cast %swap3A_267 : i32 to index
    %swap3A_269 = arith.constant 64 : index
    %swap3A_270 = tpu.vector_load %arg9[%swap3A_268, %swap3A_269] {strides = array<i32>} : memref<16x128xf32, #tpu.memory_space<vmem>>, vector<1x16xf32>,
    %swap3A_271 = vector.shape_cast %swap3A_270 : vector<1x16xf32> to vector<16xf32>
    %swap3A_272 = vector.shape_cast %broadcast_in_dim3A_3 : vector<16xf32> to vector<1x16xf32>
    tpu.vector_store %arg9[%swap3A_268, %swap3A_269], %swap3A_272 {strides = array<i32>} : memref<16x128xf32, #tpu.memory_space<vmem>>, vector<1x16xf32>,
    %swap3A_273 = arith.constant 5 : i32
    %swap3A_274 = arith.index_cast %swap3A_273 : i32 to index
    %swap3A_275 = arith.constant 80 : index
    %swap3A_276 = tpu.vector_load %arg9[%swap3A_274, %swap3A_275] {strides = array<i32>} : memref<16x128xf32, #tpu.memory_space<vmem>>, vector<1x16xf32>,
    %swap3A_277 = vector.shape_cast %swap3A_276 : vector<1x16xf32> to vector<16xf32>
    %swap3A_278 = vector.shape_cast %broadcast_in_dim3A_3 : vector<16xf32> to vector<1x16xf32>
    tpu.vector_store %arg9[%swap3A_274, %swap3A_275], %swap3A_278 {strides = array<i32>} : memref<16x128xf32, #tpu.memory_space<vmem>>, vector<1x16xf32>,
    %swap3A_279 = arith.constant 5 : i32
    %swap3A_280 = arith.index_cast %swap3A_279 : i32 to index
    %swap3A_281 = arith.constant 96 : index
    %swap3A_282 = tpu.vector_load %arg9[%swap3A_280, %swap3A_281] {strides = array<i32>} : memref<16x128xf32, #tpu.memory_space<vmem>>, vector<1x16xf32>,
    %swap3A_283 = vector.shape_cast %swap3A_282 : vector<1x16xf32> to vector<16xf32>
    %swap3A_284 = vector.shape_cast %broadcast_in_dim3A_3 : vector<16xf32> to vector<1x16xf32>
    tpu.vector_store %arg9[%swap3A_280, %swap3A_281], %swap3A_284 {strides = array<i32>} : memref<16x128xf32, #tpu.memory_space<vmem>>, vector<1x16xf32>,
    %swap3A_285 = arith.constant 5 : i32
    %swap3A_286 = arith.index_cast %swap3A_285 : i32 to index
    %swap3A_287 = arith.constant 112 : index
    %swap3A_288 = tpu.vector_load %arg9[%swap3A_286, %swap3A_287] {strides = array<i32>} : memref<16x128xf32, #tpu.memory_space<vmem>>, vector<1x16xf32>,
    %swap3A_289 = vector.shape_cast %swap3A_288 : vector<1x16xf32> to vector<16xf32>
    %swap3A_290 = vector.shape_cast %broadcast_in_dim3A_3 : vector<16xf32> to vector<1x16xf32>
    tpu.vector_store %arg9[%swap3A_286, %swap3A_287], %swap3A_290 {strides = array<i32>} : memref<16x128xf32, #tpu.memory_space<vmem>>, vector<1x16xf32>,
    %swap3A_291 = arith.constant 6 : i32
    %swap3A_292 = arith.index_cast %swap3A_291 : i32 to index
    %swap3A_293 = arith.constant 0 : index
    %swap3A_294 = tpu.vector_load %arg9[%swap3A_292, %swap3A_293] {strides = array<i32>} : memref<16x128xf32, #tpu.memory_space<vmem>>, vector<1x16xf32>,
    %swap3A_295 = vector.shape_cast %swap3A_294 : vector<1x16xf32> to vector<16xf32>
    %swap3A_296 = vector.shape_cast %broadcast_in_dim3A_3 : vector<16xf32> to vector<1x16xf32>
    tpu.vector_store %arg9[%swap3A_292, %swap3A_293], %swap3A_296 {strides = array<i32>} : memref<16x128xf32, #tpu.memory_space<vmem>>, vector<1x16xf32>,
    %swap3A_297 = arith.constant 6 : i32
    %swap3A_298 = arith.index_cast %swap3A_297 : i32 to index
    %swap3A_299 = arith.constant 16 : index
    %swap3A_300 = tpu.vector_load %arg9[%swap3A_298, %swap3A_299] {strides = array<i32>} : memref<16x128xf32, #tpu.memory_space<vmem>>, vector<1x16xf32>,
    %swap3A_301 = vector.shape_cast %swap3A_300 : vector<1x16xf32> to vector<16xf32>
    %swap3A_302 = vector.shape_cast %broadcast_in_dim3A_3 : vector<16xf32> to vector<1x16xf32>
    tpu.vector_store %arg9[%swap3A_298, %swap3A_299], %swap3A_302 {strides = array<i32>} : memref<16x128xf32, #tpu.memory_space<vmem>>, vector<1x16xf32>,
    %swap3A_303 = arith.constant 6 : i32
    %swap3A_304 = arith.index_cast %swap3A_303 : i32 to index
    %swap3A_305 = arith.constant 32 : index
    %swap3A_306 = tpu.vector_load %arg9[%swap3A_304, %swap3A_305] {strides = array<i32>} : memref<16x128xf32, #tpu.memory_space<vmem>>, vector<1x16xf32>,
    %swap3A_307 = vector.shape_cast %swap3A_306 : vector<1x16xf32> to vector<16xf32>
    %swap3A_308 = vector.shape_cast %broadcast_in_dim3A_3 : vector<16xf32> to vector<1x16xf32>
    tpu.vector_store %arg9[%swap3A_304, %swap3A_305], %swap3A_308 {strides = array<i32>} : memref<16x128xf32, #tpu.memory_space<vmem>>, vector<1x16xf32>,
    %swap3A_309 = arith.constant 6 : i32
    %swap3A_310 = arith.index_cast %swap3A_309 : i32 to index
    %swap3A_311 = arith.constant 48 : index
    %swap3A_312 = tpu.vector_load %arg9[%swap3A_310, %swap3A_311] {strides = array<i32>} : memref<16x128xf32, #tpu.memory_space<vmem>>, vector<1x16xf32>,
    %swap3A_313 = vector.shape_cast %swap3A_312 : vector<1x16xf32> to vector<16xf32>
    %swap3A_314 = vector.shape_cast %broadcast_in_dim3A_3 : vector<16xf32> to vector<1x16xf32>
    tpu.vector_store %arg9[%swap3A_310, %swap3A_311], %swap3A_314 {strides = array<i32>} : memref<16x128xf32, #tpu.memory_space<vmem>>, vector<1x16xf32>,
    %swap3A_315 = arith.constant 6 : i32
    %swap3A_316 = arith.index_cast %swap3A_315 : i32 to index
    %swap3A_317 = arith.constant 64 : index
    %swap3A_318 = tpu.vector_load %arg9[%swap3A_316, %swap3A_317] {strides = array<i32>} : memref<16x128xf32, #tpu.memory_space<vmem>>, vector<1x16xf32>,
    %swap3A_319 = vector.shape_cast %swap3A_318 : vector<1x16xf32> to vector<16xf32>
    %swap3A_320 = vector.shape_cast %broadcast_in_dim3A_3 : vector<16xf32> to vector<1x16xf32>
    tpu.vector_store %arg9[%swap3A_316, %swap3A_317], %swap3A_320 {strides = array<i32>} : memref<16x128xf32, #tpu.memory_space<vmem>>, vector<1x16xf32>,
    %swap3A_321 = arith.constant 6 : i32
    %swap3A_322 = arith.index_cast %swap3A_321 : i32 to index
    %swap3A_323 = arith.constant 80 : index
    %swap3A_324 = tpu.vector_load %arg9[%swap3A_322, %swap3A_323] {strides = array<i32>} : memref<16x128xf32, #tpu.memory_space<vmem>>, vector<1x16xf32>,
    %swap3A_325 = vector.shape_cast %swap3A_324 : vector<1x16xf32> to vector<16xf32>
    %swap3A_326 = vector.shape_cast %broadcast_in_dim3A_3 : vector<16xf32> to vector<1x16xf32>
    tpu.vector_store %arg9[%swap3A_322, %swap3A_323], %swap3A_326 {strides = array<i32>} : memref<16x128xf32, #tpu.memory_space<vmem>>, vector<1x16xf32>,
    %swap3A_327 = arith.constant 6 : i32
    %swap3A_328 = arith.index_cast %swap3A_327 : i32 to index
    %swap3A_329 = arith.constant 96 : index
    %swap3A_330 = tpu.vector_load %arg9[%swap3A_328, %swap3A_329] {strides = array<i32>} : memref<16x128xf32, #tpu.memory_space<vmem>>, vector<1x16xf32>,
    %swap3A_331 = vector.shape_cast %swap3A_330 : vector<1x16xf32> to vector<16xf32>
    %swap3A_332 = vector.shape_cast %broadcast_in_dim3A_3 : vector<16xf32> to vector<1x16xf32>
    tpu.vector_store %arg9[%swap3A_328, %swap3A_329], %swap3A_332 {strides = array<i32>} : memref<16x128xf32, #tpu.memory_space<vmem>>, vector<1x16xf32>,
    %swap3A_333 = arith.constant 6 : i32
    %swap3A_334 = arith.index_cast %swap3A_333 : i32 to index
    %swap3A_335 = arith.constant 112 : index
    %swap3A_336 = tpu.vector_load %arg9[%swap3A_334, %swap3A_335] {strides = array<i32>} : memref<16x128xf32, #tpu.memory_space<vmem>>, vector<1x16xf32>,
    %swap3A_337 = vector.shape_cast %swap3A_336 : vector<1x16xf32> to vector<16xf32>
    %swap3A_338 = vector.shape_cast %broadcast_in_dim3A_3 : vector<16xf32> to vector<1x16xf32>
    tpu.vector_store %arg9[%swap3A_334, %swap3A_335], %swap3A_338 {strides = array<i32>} : memref<16x128xf32, #tpu.memory_space<vmem>>, vector<1x16xf32>,
    %swap3A_339 = arith.constant 7 : i32
    %swap3A_340 = arith.index_cast %swap3A_339 : i32 to index
    %swap3A_341 = arith.constant 0 : index
    %swap3A_342 = tpu.vector_load %arg9[%swap3A_340, %swap3A_341] {strides = array<i32>} : memref<16x128xf32, #tpu.memory_space<vmem>>, vector<1x16xf32>,
    %swap3A_343 = vector.shape_cast %swap3A_342 : vector<1x16xf32> to vector<16xf32>
    %swap3A_344 = vector.shape_cast %broadcast_in_dim3A_3 : vector<16xf32> to vector<1x16xf32>
    tpu.vector_store %arg9[%swap3A_340, %swap3A_341], %swap3A_344 {strides = array<i32>} : memref<16x128xf32, #tpu.memory_space<vmem>>, vector<1x16xf32>,
    %swap3A_345 = arith.constant 7 : i32
    %swap3A_346 = arith.index_cast %swap3A_345 : i32 to index
    %swap3A_347 = arith.constant 16 : index
    %swap3A_348 = tpu.vector_load %arg9[%swap3A_346, %swap3A_347] {strides = array<i32>} : memref<16x128xf32, #tpu.memory_space<vmem>>, vector<1x16xf32>,
    %swap3A_349 = vector.shape_cast %swap3A_348 : vector<1x16xf32> to vector<16xf32>
    %swap3A_350 = vector.shape_cast %broadcast_in_dim3A_3 : vector<16xf32> to vector<1x16xf32>
    tpu.vector_store %arg9[%swap3A_346, %swap3A_347], %swap3A_350 {strides = array<i32>} : memref<16x128xf32, #tpu.memory_space<vmem>>, vector<1x16xf32>,
    %swap3A_351 = arith.constant 7 : i32
    %swap3A_352 = arith.index_cast %swap3A_351 : i32 to index
    %swap3A_353 = arith.constant 32 : index
    %swap3A_354 = tpu.vector_load %arg9[%swap3A_352, %swap3A_353] {strides = array<i32>} : memref<16x128xf32, #tpu.memory_space<vmem>>, vector<1x16xf32>,
    %swap3A_355 = vector.shape_cast %swap3A_354 : vector<1x16xf32> to vector<16xf32>
    %swap3A_356 = vector.shape_cast %broadcast_in_dim3A_3 : vector<16xf32> to vector<1x16xf32>
    tpu.vector_store %arg9[%swap3A_352, %swap3A_353], %swap3A_356 {strides = array<i32>} : memref<16x128xf32, #tpu.memory_space<vmem>>, vector<1x16xf32>,
    %swap3A_357 = arith.constant 7 : i32
    %swap3A_358 = arith.index_cast %swap3A_357 : i32 to index
    %swap3A_359 = arith.constant 48 : index
    %swap3A_360 = tpu.vector_load %arg9[%swap3A_358, %swap3A_359] {strides = array<i32>} : memref<16x128xf32, #tpu.memory_space<vmem>>, vector<1x16xf32>,
    %swap3A_361 = vector.shape_cast %swap3A_360 : vector<1x16xf32> to vector<16xf32>
    %swap3A_362 = vector.shape_cast %broadcast_in_dim3A_3 : vector<16xf32> to vector<1x16xf32>
    tpu.vector_store %arg9[%swap3A_358, %swap3A_359], %swap3A_362 {strides = array<i32>} : memref<16x128xf32, #tpu.memory_space<vmem>>, vector<1x16xf32>,
    %swap3A_363 = arith.constant 7 : i32
    %swap3A_364 = arith.index_cast %swap3A_363 : i32 to index
    %swap3A_365 = arith.constant 64 : index
    %swap3A_366 = tpu.vector_load %arg9[%swap3A_364, %swap3A_365] {strides = array<i32>} : memref<16x128xf32, #tpu.memory_space<vmem>>, vector<1x16xf32>,
    %swap3A_367 = vector.shape_cast %swap3A_366 : vector<1x16xf32> to vector<16xf32>
    %swap3A_368 = vector.shape_cast %broadcast_in_dim3A_3 : vector<16xf32> to vector<1x16xf32>
    tpu.vector_store %arg9[%swap3A_364, %swap3A_365], %swap3A_368 {strides = array<i32>} : memref<16x128xf32, #tpu.memory_space<vmem>>, vector<1x16xf32>,
    %swap3A_369 = arith.constant 7 : i32
    %swap3A_370 = arith.index_cast %swap3A_369 : i32 to index
    %swap3A_371 = arith.constant 80 : index
    %swap3A_372 = tpu.vector_load %arg9[%swap3A_370, %swap3A_371] {strides = array<i32>} : memref<16x128xf32, #tpu.memory_space<vmem>>, vector<1x16xf32>,
    %swap3A_373 = vector.shape_cast %swap3A_372 : vector<1x16xf32> to vector<16xf32>
    %swap3A_374 = vector.shape_cast %broadcast_in_dim3A_3 : vector<16xf32> to vector<1x16xf32>
    tpu.vector_store %arg9[%swap3A_370, %swap3A_371], %swap3A_374 {strides = array<i32>} : memref<16x128xf32, #tpu.memory_space<vmem>>, vector<1x16xf32>,
    %swap3A_375 = arith.constant 7 : i32
    %swap3A_376 = arith.index_cast %swap3A_375 : i32 to index
    %swap3A_377 = arith.constant 96 : index
    %swap3A_378 = tpu.vector_load %arg9[%swap3A_376, %swap3A_377] {strides = array<i32>} : memref<16x128xf32, #tpu.memory_space<vmem>>, vector<1x16xf32>,
    %swap3A_379 = vector.shape_cast %swap3A_378 : vector<1x16xf32> to vector<16xf32>
    %swap3A_380 = vector.shape_cast %broadcast_in_dim3A_3 : vector<16xf32> to vector<1x16xf32>
    tpu.vector_store %arg9[%swap3A_376, %swap3A_377], %swap3A_380 {strides = array<i32>} : memref<16x128xf32, #tpu.memory_space<vmem>>, vector<1x16xf32>,
    %swap3A_381 = arith.constant 7 : i32
    %swap3A_382 = arith.index_cast %swap3A_381 : i32 to index
    %swap3A_383 = arith.constant 112 : index
    %swap3A_384 = tpu.vector_load %arg9[%swap3A_382, %swap3A_383] {strides = array<i32>} : memref<16x128xf32, #tpu.memory_space<vmem>>, vector<1x16xf32>,
    %swap3A_385 = vector.shape_cast %swap3A_384 : vector<1x16xf32> to vector<16xf32>
    %swap3A_386 = vector.shape_cast %broadcast_in_dim3A_3 : vector<16xf32> to vector<1x16xf32>
    tpu.vector_store %arg9[%swap3A_382, %swap3A_383], %swap3A_386 {strides = array<i32>} : memref<16x128xf32, #tpu.memory_space<vmem>>, vector<1x16xf32>,
    %swap3A_387 = arith.constant 8 : i32
    %swap3A_388 = arith.index_cast %swap3A_387 : i32 to index
    %swap3A_389 = arith.constant 0 : index
    %swap3A_390 = tpu.vector_load %arg9[%swap3A_388, %swap3A_389] {strides = array<i32>} : memref<16x128xf32, #tpu.memory_space<vmem>>, vector<1x16xf32>,
    %swap3A_391 = vector.shape_cast %swap3A_390 : vector<1x16xf32> to vector<16xf32>
    %swap3A_392 = vector.shape_cast %broadcast_in_dim3A_3 : vector<16xf32> to vector<1x16xf32>
    tpu.vector_store %arg9[%swap3A_388, %swap3A_389], %swap3A_392 {strides = array<i32>} : memref<16x128xf32, #tpu.memory_space<vmem>>, vector<1x16xf32>,
    %swap3A_393 = arith.constant 8 : i32
    %swap3A_394 = arith.index_cast %swap3A_393 : i32 to index
    %swap3A_395 = arith.constant 16 : index
    %swap3A_396 = tpu.vector_load %arg9[%swap3A_394, %swap3A_395] {strides = array<i32>} : memref<16x128xf32, #tpu.memory_space<vmem>>, vector<1x16xf32>,
    %swap3A_397 = vector.shape_cast %swap3A_396 : vector<1x16xf32> to vector<16xf32>
    %swap3A_398 = vector.shape_cast %broadcast_in_dim3A_3 : vector<16xf32> to vector<1x16xf32>
    tpu.vector_store %arg9[%swap3A_394, %swap3A_395], %swap3A_398 {strides = array<i32>} : memref<16x128xf32, #tpu.memory_space<vmem>>, vector<1x16xf32>,
    %swap3A_399 = arith.constant 8 : i32
    %swap3A_400 = arith.index_cast %swap3A_399 : i32 to index
    %swap3A_401 = arith.constant 32 : index
    %swap3A_402 = tpu.vector_load %arg9[%swap3A_400, %swap3A_401] {strides = array<i32>} : memref<16x128xf32, #tpu.memory_space<vmem>>, vector<1x16xf32>,
    %swap3A_403 = vector.shape_cast %swap3A_402 : vector<1x16xf32> to vector<16xf32>
    %swap3A_404 = vector.shape_cast %broadcast_in_dim3A_3 : vector<16xf32> to vector<1x16xf32>
    tpu.vector_store %arg9[%swap3A_400, %swap3A_401], %swap3A_404 {strides = array<i32>} : memref<16x128xf32, #tpu.memory_space<vmem>>, vector<1x16xf32>,
    %swap3A_405 = arith.constant 8 : i32
    %swap3A_406 = arith.index_cast %swap3A_405 : i32 to index
    %swap3A_407 = arith.constant 48 : index
    %swap3A_408 = tpu.vector_load %arg9[%swap3A_406, %swap3A_407] {strides = array<i32>} : memref<16x128xf32, #tpu.memory_space<vmem>>, vector<1x16xf32>,
    %swap3A_409 = vector.shape_cast %swap3A_408 : vector<1x16xf32> to vector<16xf32>
    %swap3A_410 = vector.shape_cast %broadcast_in_dim3A_3 : vector<16xf32> to vector<1x16xf32>
    tpu.vector_store %arg9[%swap3A_406, %swap3A_407], %swap3A_410 {strides = array<i32>} : memref<16x128xf32, #tpu.memory_space<vmem>>, vector<1x16xf32>,
    %swap3A_411 = arith.constant 8 : i32
    %swap3A_412 = arith.index_cast %swap3A_411 : i32 to index
    %swap3A_413 = arith.constant 64 : index
    %swap3A_414 = tpu.vector_load %arg9[%swap3A_412, %swap3A_413] {strides = array<i32>} : memref<16x128xf32, #tpu.memory_space<vmem>>, vector<1x16xf32>,
    %swap3A_415 = vector.shape_cast %swap3A_414 : vector<1x16xf32> to vector<16xf32>
    %swap3A_416 = vector.shape_cast %broadcast_in_dim3A_3 : vector<16xf32> to vector<1x16xf32>
    tpu.vector_store %arg9[%swap3A_412, %swap3A_413], %swap3A_416 {strides = array<i32>} : memref<16x128xf32, #tpu.memory_space<vmem>>, vector<1x16xf32>,
    %swap3A_417 = arith.constant 8 : i32
    %swap3A_418 = arith.index_cast %swap3A_417 : i32 to index
    %swap3A_419 = arith.constant 80 : index
    %swap3A_420 = tpu.vector_load %arg9[%swap3A_418, %swap3A_419] {strides = array<i32>} : memref<16x128xf32, #tpu.memory_space<vmem>>, vector<1x16xf32>,
    %swap3A_421 = vector.shape_cast %swap3A_420 : vector<1x16xf32> to vector<16xf32>
    %swap3A_422 = vector.shape_cast %broadcast_in_dim3A_3 : vector<16xf32> to vector<1x16xf32>
    tpu.vector_store %arg9[%swap3A_418, %swap3A_419], %swap3A_422 {strides = array<i32>} : memref<16x128xf32, #tpu.memory_space<vmem>>, vector<1x16xf32>,
    %swap3A_423 = arith.constant 8 : i32
    %swap3A_424 = arith.index_cast %swap3A_423 : i32 to index
    %swap3A_425 = arith.constant 96 : index
    %swap3A_426 = tpu.vector_load %arg9[%swap3A_424, %swap3A_425] {strides = array<i32>} : memref<16x128xf32, #tpu.memory_space<vmem>>, vector<1x16xf32>,
    %swap3A_427 = vector.shape_cast %swap3A_426 : vector<1x16xf32> to vector<16xf32>
    %swap3A_428 = vector.shape_cast %broadcast_in_dim3A_3 : vector<16xf32> to vector<1x16xf32>
    tpu.vector_store %arg9[%swap3A_424, %swap3A_425], %swap3A_428 {strides = array<i32>} : memref<16x128xf32, #tpu.memory_space<vmem>>, vector<1x16xf32>,
    %swap3A_429 = arith.constant 8 : i32
    %swap3A_430 = arith.index_cast %swap3A_429 : i32 to index
    %swap3A_431 = arith.constant 112 : index
    %swap3A_432 = tpu.vector_load %arg9[%swap3A_430, %swap3A_431] {strides = array<i32>} : memref<16x128xf32, #tpu.memory_space<vmem>>, vector<1x16xf32>,
    %swap3A_433 = vector.shape_cast %swap3A_432 : vector<1x16xf32> to vector<16xf32>
    %swap3A_434 = vector.shape_cast %broadcast_in_dim3A_3 : vector<16xf32> to vector<1x16xf32>
    tpu.vector_store %arg9[%swap3A_430, %swap3A_431], %swap3A_434 {strides = array<i32>} : memref<16x128xf32, #tpu.memory_space<vmem>>, vector<1x16xf32>,
    %swap3A_435 = arith.constant 9 : i32
    %swap3A_436 = arith.index_cast %swap3A_435 : i32 to index
    %swap3A_437 = arith.constant 0 : index
    %swap3A_438 = tpu.vector_load %arg9[%swap3A_436, %swap3A_437] {strides = array<i32>} : memref<16x128xf32, #tpu.memory_space<vmem>>, vector<1x16xf32>,
    %swap3A_439 = vector.shape_cast %swap3A_438 : vector<1x16xf32> to vector<16xf32>
    %swap3A_440 = vector.shape_cast %broadcast_in_dim3A_3 : vector<16xf32> to vector<1x16xf32>
    tpu.vector_store %arg9[%swap3A_436, %swap3A_437], %swap3A_440 {strides = array<i32>} : memref<16x128xf32, #tpu.memory_space<vmem>>, vector<1x16xf32>,
    %swap3A_441 = arith.constant 9 : i32
    %swap3A_442 = arith.index_cast %swap3A_441 : i32 to index
    %swap3A_443 = arith.constant 16 : index
    %swap3A_444 = tpu.vector_load %arg9[%swap3A_442, %swap3A_443] {strides = array<i32>} : memref<16x128xf32, #tpu.memory_space<vmem>>, vector<1x16xf32>,
    %swap3A_445 = vector.shape_cast %swap3A_444 : vector<1x16xf32> to vector<16xf32>
    %swap3A_446 = vector.shape_cast %broadcast_in_dim3A_3 : vector<16xf32> to vector<1x16xf32>
    tpu.vector_store %arg9[%swap3A_442, %swap3A_443], %swap3A_446 {strides = array<i32>} : memref<16x128xf32, #tpu.memory_space<vmem>>, vector<1x16xf32>,
    %swap3A_447 = arith.constant 9 : i32
    %swap3A_448 = arith.index_cast %swap3A_447 : i32 to index
    %swap3A_449 = arith.constant 32 : index
    %swap3A_450 = tpu.vector_load %arg9[%swap3A_448, %swap3A_449] {strides = array<i32>} : memref<16x128xf32, #tpu.memory_space<vmem>>, vector<1x16xf32>,
    %swap3A_451 = vector.shape_cast %swap3A_450 : vector<1x16xf32> to vector<16xf32>
    %swap3A_452 = vector.shape_cast %broadcast_in_dim3A_3 : vector<16xf32> to vector<1x16xf32>
    tpu.vector_store %arg9[%swap3A_448, %swap3A_449], %swap3A_452 {strides = array<i32>} : memref<16x128xf32, #tpu.memory_space<vmem>>, vector<1x16xf32>,
    %swap3A_453 = arith.constant 9 : i32
    %swap3A_454 = arith.index_cast %swap3A_453 : i32 to index
    %swap3A_455 = arith.constant 48 : index
    %swap3A_456 = tpu.vector_load %arg9[%swap3A_454, %swap3A_455] {strides = array<i32>} : memref<16x128xf32, #tpu.memory_space<vmem>>, vector<1x16xf32>,
    %swap3A_457 = vector.shape_cast %swap3A_456 : vector<1x16xf32> to vector<16xf32>
    %swap3A_458 = vector.shape_cast %broadcast_in_dim3A_3 : vector<16xf32> to vector<1x16xf32>
    tpu.vector_store %arg9[%swap3A_454, %swap3A_455], %swap3A_458 {strides = array<i32>} : memref<16x128xf32, #tpu.memory_space<vmem>>, vector<1x16xf32>,
    %swap3A_459 = arith.constant 9 : i32
    %swap3A_460 = arith.index_cast %swap3A_459 : i32 to index
    %swap3A_461 = arith.constant 64 : index
    %swap3A_462 = tpu.vector_load %arg9[%swap3A_460, %swap3A_461] {strides = array<i32>} : memref<16x128xf32, #tpu.memory_space<vmem>>, vector<1x16xf32>,
    %swap3A_463 = vector.shape_cast %swap3A_462 : vector<1x16xf32> to vector<16xf32>
    %swap3A_464 = vector.shape_cast %broadcast_in_dim3A_3 : vector<16xf32> to vector<1x16xf32>
    tpu.vector_store %arg9[%swap3A_460, %swap3A_461], %swap3A_464 {strides = array<i32>} : memref<16x128xf32, #tpu.memory_space<vmem>>, vector<1x16xf32>,
    %swap3A_465 = arith.constant 9 : i32
    %swap3A_466 = arith.index_cast %swap3A_465 : i32 to index
    %swap3A_467 = arith.constant 80 : index
    %swap3A_468 = tpu.vector_load %arg9[%swap3A_466, %swap3A_467] {strides = array<i32>} : memref<16x128xf32, #tpu.memory_space<vmem>>, vector<1x16xf32>,
    %swap3A_469 = vector.shape_cast %swap3A_468 : vector<1x16xf32> to vector<16xf32>
    %swap3A_470 = vector.shape_cast %broadcast_in_dim3A_3 : vector<16xf32> to vector<1x16xf32>
    tpu.vector_store %arg9[%swap3A_466, %swap3A_467], %swap3A_470 {strides = array<i32>} : memref<16x128xf32, #tpu.memory_space<vmem>>, vector<1x16xf32>,
    %swap3A_471 = arith.constant 9 : i32
    %swap3A_472 = arith.index_cast %swap3A_471 : i32 to index
    %swap3A_473 = arith.constant 96 : index
    %swap3A_474 = tpu.vector_load %arg9[%swap3A_472, %swap3A_473] {strides = array<i32>} : memref<16x128xf32, #tpu.memory_space<vmem>>, vector<1x16xf32>,
    %swap3A_475 = vector.shape_cast %swap3A_474 : vector<1x16xf32> to vector<16xf32>
    %swap3A_476 = vector.shape_cast %broadcast_in_dim3A_3 : vector<16xf32> to vector<1x16xf32>
    tpu.vector_store %arg9[%swap3A_472, %swap3A_473], %swap3A_476 {strides = array<i32>} : memref<16x128xf32, #tpu.memory_space<vmem>>, vector<1x16xf32>,
    %swap3A_477 = arith.constant 9 : i32
    %swap3A_478 = arith.index_cast %swap3A_477 : i32 to index
    %swap3A_479 = arith.constant 112 : index
    %swap3A_480 = tpu.vector_load %arg9[%swap3A_478, %swap3A_479] {strides = array<i32>} : memref<16x128xf32, #tpu.memory_space<vmem>>, vector<1x16xf32>,
    %swap3A_481 = vector.shape_cast %swap3A_480 : vector<1x16xf32> to vector<16xf32>
    %swap3A_482 = vector.shape_cast %broadcast_in_dim3A_3 : vector<16xf32> to vector<1x16xf32>
    tpu.vector_store %arg9[%swap3A_478, %swap3A_479], %swap3A_482 {strides = array<i32>} : memref<16x128xf32, #tpu.memory_space<vmem>>, vector<1x16xf32>,
    %swap3A_483 = arith.constant 10 : i32
    %swap3A_484 = arith.index_cast %swap3A_483 : i32 to index
    %swap3A_485 = arith.constant 0 : index
    %swap3A_486 = tpu.vector_load %arg9[%swap3A_484, %swap3A_485] {strides = array<i32>} : memref<16x128xf32, #tpu.memory_space<vmem>>, vector<1x16xf32>,
    %swap3A_487 = vector.shape_cast %swap3A_486 : vector<1x16xf32> to vector<16xf32>
    %swap3A_488 = vector.shape_cast %broadcast_in_dim3A_3 : vector<16xf32> to vector<1x16xf32>
    tpu.vector_store %arg9[%swap3A_484, %swap3A_485], %swap3A_488 {strides = array<i32>} : memref<16x128xf32, #tpu.memory_space<vmem>>, vector<1x16xf32>,
    %swap3A_489 = arith.constant 10 : i32
    %swap3A_490 = arith.index_cast %swap3A_489 : i32 to index
    %swap3A_491 = arith.constant 16 : index
    %swap3A_492 = tpu.vector_load %arg9[%swap3A_490, %swap3A_491] {strides = array<i32>} : memref<16x128xf32, #tpu.memory_space<vmem>>, vector<1x16xf32>,
    %swap3A_493 = vector.shape_cast %swap3A_492 : vector<1x16xf32> to vector<16xf32>
    %swap3A_494 = vector.shape_cast %broadcast_in_dim3A_3 : vector<16xf32> to vector<1x16xf32>
    tpu.vector_store %arg9[%swap3A_490, %swap3A_491], %swap3A_494 {strides = array<i32>} : memref<16x128xf32, #tpu.memory_space<vmem>>, vector<1x16xf32>,
    %swap3A_495 = arith.constant 10 : i32
    %swap3A_496 = arith.index_cast %swap3A_495 : i32 to index
    %swap3A_497 = arith.constant 32 : index
    %swap3A_498 = tpu.vector_load %arg9[%swap3A_496, %swap3A_497] {strides = array<i32>} : memref<16x128xf32, #tpu.memory_space<vmem>>, vector<1x16xf32>,
    %swap3A_499 = vector.shape_cast %swap3A_498 : vector<1x16xf32> to vector<16xf32>
    %swap3A_500 = vector.shape_cast %broadcast_in_dim3A_3 : vector<16xf32> to vector<1x16xf32>
    tpu.vector_store %arg9[%swap3A_496, %swap3A_497], %swap3A_500 {strides = array<i32>} : memref<16x128xf32, #tpu.memory_space<vmem>>, vector<1x16xf32>,
    %swap3A_501 = arith.constant 10 : i32
    %swap3A_502 = arith.index_cast %swap3A_501 : i32 to index
    %swap3A_503 = arith.constant 48 : index
    %swap3A_504 = tpu.vector_load %arg9[%swap3A_502, %swap3A_503] {strides = array<i32>} : memref<16x128xf32, #tpu.memory_space<vmem>>, vector<1x16xf32>,
    %swap3A_505 = vector.shape_cast %swap3A_504 : vector<1x16xf32> to vector<16xf32>
    %swap3A_506 = vector.shape_cast %broadcast_in_dim3A_3 : vector<16xf32> to vector<1x16xf32>
    tpu.vector_store %arg9[%swap3A_502, %swap3A_503], %swap3A_506 {strides = array<i32>} : memref<16x128xf32, #tpu.memory_space<vmem>>, vector<1x16xf32>,
    %swap3A_507 = arith.constant 10 : i32
    %swap3A_508 = arith.index_cast %swap3A_507 : i32 to index
    %swap3A_509 = arith.constant 64 : index
    %swap3A_510 = tpu.vector_load %arg9[%swap3A_508, %swap3A_509] {strides = array<i32>} : memref<16x128xf32, #tpu.memory_space<vmem>>, vector<1x16xf32>,
    %swap3A_511 = vector.shape_cast %swap3A_510 : vector<1x16xf32> to vector<16xf32>
    %swap3A_512 = vector.shape_cast %broadcast_in_dim3A_3 : vector<16xf32> to vector<1x16xf32>
    tpu.vector_store %arg9[%swap3A_508, %swap3A_509], %swap3A_512 {strides = array<i32>} : memref<16x128xf32, #tpu.memory_space<vmem>>, vector<1x16xf32>,
    %swap3A_513 = arith.constant 10 : i32
    %swap3A_514 = arith.index_cast %swap3A_513 : i32 to index
    %swap3A_515 = arith.constant 80 : index
    %swap3A_516 = tpu.vector_load %arg9[%swap3A_514, %swap3A_515] {strides = array<i32>} : memref<16x128xf32, #tpu.memory_space<vmem>>, vector<1x16xf32>,
    %swap3A_517 = vector.shape_cast %swap3A_516 : vector<1x16xf32> to vector<16xf32>
    %swap3A_518 = vector.shape_cast %broadcast_in_dim3A_3 : vector<16xf32> to vector<1x16xf32>
    tpu.vector_store %arg9[%swap3A_514, %swap3A_515], %swap3A_518 {strides = array<i32>} : memref<16x128xf32, #tpu.memory_space<vmem>>, vector<1x16xf32>,
    %swap3A_519 = arith.constant 10 : i32
    %swap3A_520 = arith.index_cast %swap3A_519 : i32 to index
    %swap3A_521 = arith.constant 96 : index
    %swap3A_522 = tpu.vector_load %arg9[%swap3A_520, %swap3A_521] {strides = array<i32>} : memref<16x128xf32, #tpu.memory_space<vmem>>, vector<1x16xf32>,
    %swap3A_523 = vector.shape_cast %swap3A_522 : vector<1x16xf32> to vector<16xf32>
    %swap3A_524 = vector.shape_cast %broadcast_in_dim3A_3 : vector<16xf32> to vector<1x16xf32>
    tpu.vector_store %arg9[%swap3A_520, %swap3A_521], %swap3A_524 {strides = array<i32>} : memref<16x128xf32, #tpu.memory_space<vmem>>, vector<1x16xf32>,
    %swap3A_525 = arith.constant 10 : i32
    %swap3A_526 = arith.index_cast %swap3A_525 : i32 to index
    %swap3A_527 = arith.constant 112 : index
    %swap3A_528 = tpu.vector_load %arg9[%swap3A_526, %swap3A_527] {strides = array<i32>} : memref<16x128xf32, #tpu.memory_space<vmem>>, vector<1x16xf32>,
    %swap3A_529 = vector.shape_cast %swap3A_528 : vector<1x16xf32> to vector<16xf32>
    %swap3A_530 = vector.shape_cast %broadcast_in_dim3A_3 : vector<16xf32> to vector<1x16xf32>
    tpu.vector_store %arg9[%swap3A_526, %swap3A_527], %swap3A_530 {strides = array<i32>} : memref<16x128xf32, #tpu.memory_space<vmem>>, vector<1x16xf32>,
    %swap3A_531 = arith.constant 11 : i32
    %swap3A_532 = arith.index_cast %swap3A_531 : i32 to index
    %swap3A_533 = arith.constant 0 : index
    %swap3A_534 = tpu.vector_load %arg9[%swap3A_532, %swap3A_533] {strides = array<i32>} : memref<16x128xf32, #tpu.memory_space<vmem>>, vector<1x16xf32>,
    %swap3A_535 = vector.shape_cast %swap3A_534 : vector<1x16xf32> to vector<16xf32>
    %swap3A_536 = vector.shape_cast %broadcast_in_dim3A_3 : vector<16xf32> to vector<1x16xf32>
    tpu.vector_store %arg9[%swap3A_532, %swap3A_533], %swap3A_536 {strides = array<i32>} : memref<16x128xf32, #tpu.memory_space<vmem>>, vector<1x16xf32>,
    %swap3A_537 = arith.constant 11 : i32
    %swap3A_538 = arith.index_cast %swap3A_537 : i32 to index
    %swap3A_539 = arith.constant 16 : index
    %swap3A_540 = tpu.vector_load %arg9[%swap3A_538, %swap3A_539] {strides = array<i32>} : memref<16x128xf32, #tpu.memory_space<vmem>>, vector<1x16xf32>,
    %swap3A_541 = vector.shape_cast %swap3A_540 : vector<1x16xf32> to vector<16xf32>
    %swap3A_542 = vector.shape_cast %broadcast_in_dim3A_3 : vector<16xf32> to vector<1x16xf32>
    tpu.vector_store %arg9[%swap3A_538, %swap3A_539], %swap3A_542 {strides = array<i32>} : memref<16x128xf32, #tpu.memory_space<vmem>>, vector<1x16xf32>,
    %swap3A_543 = arith.constant 11 : i32
    %swap3A_544 = arith.index_cast %swap3A_543 : i32 to index
    %swap3A_545 = arith.constant 32 : index
    %swap3A_546 = tpu.vector_load %arg9[%swap3A_544, %swap3A_545] {strides = array<i32>} : memref<16x128xf32, #tpu.memory_space<vmem>>, vector<1x16xf32>,
    %swap3A_547 = vector.shape_cast %swap3A_546 : vector<1x16xf32> to vector<16xf32>
    %swap3A_548 = vector.shape_cast %broadcast_in_dim3A_3 : vector<16xf32> to vector<1x16xf32>
    tpu.vector_store %arg9[%swap3A_544, %swap3A_545], %swap3A_548 {strides = array<i32>} : memref<16x128xf32, #tpu.memory_space<vmem>>, vector<1x16xf32>,
    %swap3A_549 = arith.constant 11 : i32
    %swap3A_550 = arith.index_cast %swap3A_549 : i32 to index
    %swap3A_551 = arith.constant 48 : index
    %swap3A_552 = tpu.vector_load %arg9[%swap3A_550, %swap3A_551] {strides = array<i32>} : memref<16x128xf32, #tpu.memory_space<vmem>>, vector<1x16xf32>,
    %swap3A_553 = vector.shape_cast %swap3A_552 : vector<1x16xf32> to vector<16xf32>
    %swap3A_554 = vector.shape_cast %broadcast_in_dim3A_3 : vector<16xf32> to vector<1x16xf32>
    tpu.vector_store %arg9[%swap3A_550, %swap3A_551], %swap3A_554 {strides = array<i32>} : memref<16x128xf32, #tpu.memory_space<vmem>>, vector<1x16xf32>,
    %swap3A_555 = arith.constant 11 : i32
    %swap3A_556 = arith.index_cast %swap3A_555 : i32 to index
    %swap3A_557 = arith.constant 64 : index
    %swap3A_558 = tpu.vector_load %arg9[%swap3A_556, %swap3A_557] {strides = array<i32>} : memref<16x128xf32, #tpu.memory_space<vmem>>, vector<1x16xf32>,
    %swap3A_559 = vector.shape_cast %swap3A_558 : vector<1x16xf32> to vector<16xf32>
    %swap3A_560 = vector.shape_cast %broadcast_in_dim3A_3 : vector<16xf32> to vector<1x16xf32>
    tpu.vector_store %arg9[%swap3A_556, %swap3A_557], %swap3A_560 {strides = array<i32>} : memref<16x128xf32, #tpu.memory_space<vmem>>, vector<1x16xf32>,
    %swap3A_561 = arith.constant 11 : i32
    %swap3A_562 = arith.index_cast %swap3A_561 : i32 to index
    %swap3A_563 = arith.constant 80 : index
    %swap3A_564 = tpu.vector_load %arg9[%swap3A_562, %swap3A_563] {strides = array<i32>} : memref<16x128xf32, #tpu.memory_space<vmem>>, vector<1x16xf32>,
    %swap3A_565 = vector.shape_cast %swap3A_564 : vector<1x16xf32> to vector<16xf32>
    %swap3A_566 = vector.shape_cast %broadcast_in_dim3A_3 : vector<16xf32> to vector<1x16xf32>
    tpu.vector_store %arg9[%swap3A_562, %swap3A_563], %swap3A_566 {strides = array<i32>} : memref<16x128xf32, #tpu.memory_space<vmem>>, vector<1x16xf32>,
    %swap3A_567 = arith.constant 11 : i32
    %swap3A_568 = arith.index_cast %swap3A_567 : i32 to index
    %swap3A_569 = arith.constant 96 : index
    %swap3A_570 = tpu.vector_load %arg9[%swap3A_568, %swap3A_569] {strides = array<i32>} : memref<16x128xf32, #tpu.memory_space<vmem>>, vector<1x16xf32>,
    %swap3A_571 = vector.shape_cast %swap3A_570 : vector<1x16xf32> to vector<16xf32>
    %swap3A_572 = vector.shape_cast %broadcast_in_dim3A_3 : vector<16xf32> to vector<1x16xf32>
    tpu.vector_store %arg9[%swap3A_568, %swap3A_569], %swap3A_572 {strides = array<i32>} : memref<16x128xf32, #tpu.memory_space<vmem>>, vector<1x16xf32>,
    %swap3A_573 = arith.constant 11 : i32
    %swap3A_574 = arith.index_cast %swap3A_573 : i32 to index
    %swap3A_575 = arith.constant 112 : index
    %swap3A_576 = tpu.vector_load %arg9[%swap3A_574, %swap3A_575] {strides = array<i32>} : memref<16x128xf32, #tpu.memory_space<vmem>>, vector<1x16xf32>,
    %swap3A_577 = vector.shape_cast %swap3A_576 : vector<1x16xf32> to vector<16xf32>
    %swap3A_578 = vector.shape_cast %broadcast_in_dim3A_3 : vector<16xf32> to vector<1x16xf32>
    tpu.vector_store %arg9[%swap3A_574, %swap3A_575], %swap3A_578 {strides = array<i32>} : memref<16x128xf32, #tpu.memory_space<vmem>>, vector<1x16xf32>,
    %swap3A_579 = arith.constant 12 : i32
    %swap3A_580 = arith.index_cast %swap3A_579 : i32 to index
    %swap3A_581 = arith.constant 0 : index
    %swap3A_582 = tpu.vector_load %arg9[%swap3A_580, %swap3A_581] {strides = array<i32>} : memref<16x128xf32, #tpu.memory_space<vmem>>, vector<1x16xf32>,
    %swap3A_583 = vector.shape_cast %swap3A_582 : vector<1x16xf32> to vector<16xf32>
    %swap3A_584 = vector.shape_cast %broadcast_in_dim3A_3 : vector<16xf32> to vector<1x16xf32>
    tpu.vector_store %arg9[%swap3A_580, %swap3A_581], %swap3A_584 {strides = array<i32>} : memref<16x128xf32, #tpu.memory_space<vmem>>, vector<1x16xf32>,
    %swap3A_585 = arith.constant 12 : i32
    %swap3A_586 = arith.index_cast %swap3A_585 : i32 to index
    %swap3A_587 = arith.constant 16 : index
    %swap3A_588 = tpu.vector_load %arg9[%swap3A_586, %swap3A_587] {strides = array<i32>} : memref<16x128xf32, #tpu.memory_space<vmem>>, vector<1x16xf32>,
    %swap3A_589 = vector.shape_cast %swap3A_588 : vector<1x16xf32> to vector<16xf32>
    %swap3A_590 = vector.shape_cast %broadcast_in_dim3A_3 : vector<16xf32> to vector<1x16xf32>
    tpu.vector_store %arg9[%swap3A_586, %swap3A_587], %swap3A_590 {strides = array<i32>} : memref<16x128xf32, #tpu.memory_space<vmem>>, vector<1x16xf32>,
    %swap3A_591 = arith.constant 12 : i32
    %swap3A_592 = arith.index_cast %swap3A_591 : i32 to index
    %swap3A_593 = arith.constant 32 : index
    %swap3A_594 = tpu.vector_load %arg9[%swap3A_592, %swap3A_593] {strides = array<i32>} : memref<16x128xf32, #tpu.memory_space<vmem>>, vector<1x16xf32>,
    %swap3A_595 = vector.shape_cast %swap3A_594 : vector<1x16xf32> to vector<16xf32>
    %swap3A_596 = vector.shape_cast %broadcast_in_dim3A_3 : vector<16xf32> to vector<1x16xf32>
    tpu.vector_store %arg9[%swap3A_592, %swap3A_593], %swap3A_596 {strides = array<i32>} : memref<16x128xf32, #tpu.memory_space<vmem>>, vector<1x16xf32>,
    %swap3A_597 = arith.constant 12 : i32
    %swap3A_598 = arith.index_cast %swap3A_597 : i32 to index
    %swap3A_599 = arith.constant 48 : index
    %swap3A_600 = tpu.vector_load %arg9[%swap3A_598, %swap3A_599] {strides = array<i32>} : memref<16x128xf32, #tpu.memory_space<vmem>>, vector<1x16xf32>,
    %swap3A_601 = vector.shape_cast %swap3A_600 : vector<1x16xf32> to vector<16xf32>
    %swap3A_602 = vector.shape_cast %broadcast_in_dim3A_3 : vector<16xf32> to vector<1x16xf32>
    tpu.vector_store %arg9[%swap3A_598, %swap3A_599], %swap3A_602 {strides = array<i32>} : memref<16x128xf32, #tpu.memory_space<vmem>>, vector<1x16xf32>,
    %swap3A_603 = arith.constant 12 : i32
    %swap3A_604 = arith.index_cast %swap3A_603 : i32 to index
    %swap3A_605 = arith.constant 64 : index
    %swap3A_606 = tpu.vector_load %arg9[%swap3A_604, %swap3A_605] {strides = array<i32>} : memref<16x128xf32, #tpu.memory_space<vmem>>, vector<1x16xf32>,
    %swap3A_607 = vector.shape_cast %swap3A_606 : vector<1x16xf32> to vector<16xf32>
    %swap3A_608 = vector.shape_cast %broadcast_in_dim3A_3 : vector<16xf32> to vector<1x16xf32>
    tpu.vector_store %arg9[%swap3A_604, %swap3A_605], %swap3A_608 {strides = array<i32>} : memref<16x128xf32, #tpu.memory_space<vmem>>, vector<1x16xf32>,
    %swap3A_609 = arith.constant 12 : i32
    %swap3A_610 = arith.index_cast %swap3A_609 : i32 to index
    %swap3A_611 = arith.constant 80 : index
    %swap3A_612 = tpu.vector_load %arg9[%swap3A_610, %swap3A_611] {strides = array<i32>} : memref<16x128xf32, #tpu.memory_space<vmem>>, vector<1x16xf32>,
    %swap3A_613 = vector.shape_cast %swap3A_612 : vector<1x16xf32> to vector<16xf32>
    %swap3A_614 = vector.shape_cast %broadcast_in_dim3A_3 : vector<16xf32> to vector<1x16xf32>
    tpu.vector_store %arg9[%swap3A_610, %swap3A_611], %swap3A_614 {strides = array<i32>} : memref<16x128xf32, #tpu.memory_space<vmem>>, vector<1x16xf32>,
    %swap3A_615 = arith.constant 12 : i32
    %swap3A_616 = arith.index_cast %swap3A_615 : i32 to index
    %swap3A_617 = arith.constant 96 : index
    %swap3A_618 = tpu.vector_load %arg9[%swap3A_616, %swap3A_617] {strides = array<i32>} : memref<16x128xf32, #tpu.memory_space<vmem>>, vector<1x16xf32>,
    %swap3A_619 = vector.shape_cast %swap3A_618 : vector<1x16xf32> to vector<16xf32>
    %swap3A_620 = vector.shape_cast %broadcast_in_dim3A_3 : vector<16xf32> to vector<1x16xf32>
    tpu.vector_store %arg9[%swap3A_616, %swap3A_617], %swap3A_620 {strides = array<i32>} : memref<16x128xf32, #tpu.memory_space<vmem>>, vector<1x16xf32>,
    %swap3A_621 = arith.constant 12 : i32
    %swap3A_622 = arith.index_cast %swap3A_621 : i32 to index
    %swap3A_623 = arith.constant 112 : index
    %swap3A_624 = tpu.vector_load %arg9[%swap3A_622, %swap3A_623] {strides = array<i32>} : memref<16x128xf32, #tpu.memory_space<vmem>>, vector<1x16xf32>,
    %swap3A_625 = vector.shape_cast %swap3A_624 : vector<1x16xf32> to vector<16xf32>
    %swap3A_626 = vector.shape_cast %broadcast_in_dim3A_3 : vector<16xf32> to vector<1x16xf32>
    tpu.vector_store %arg9[%swap3A_622, %swap3A_623], %swap3A_626 {strides = array<i32>} : memref<16x128xf32, #tpu.memory_space<vmem>>, vector<1x16xf32>,
    %swap3A_627 = arith.constant 13 : i32
    %swap3A_628 = arith.index_cast %swap3A_627 : i32 to index
    %swap3A_629 = arith.constant 0 : index
    %swap3A_630 = tpu.vector_load %arg9[%swap3A_628, %swap3A_629] {strides = array<i32>} : memref<16x128xf32, #tpu.memory_space<vmem>>, vector<1x16xf32>,
    %swap3A_631 = vector.shape_cast %swap3A_630 : vector<1x16xf32> to vector<16xf32>
    %swap3A_632 = vector.shape_cast %broadcast_in_dim3A_3 : vector<16xf32> to vector<1x16xf32>
    tpu.vector_store %arg9[%swap3A_628, %swap3A_629], %swap3A_632 {strides = array<i32>} : memref<16x128xf32, #tpu.memory_space<vmem>>, vector<1x16xf32>,
    %swap3A_633 = arith.constant 13 : i32
    %swap3A_634 = arith.index_cast %swap3A_633 : i32 to index
    %swap3A_635 = arith.constant 16 : index
    %swap3A_636 = tpu.vector_load %arg9[%swap3A_634, %swap3A_635] {strides = array<i32>} : memref<16x128xf32, #tpu.memory_space<vmem>>, vector<1x16xf32>,
    %swap3A_637 = vector.shape_cast %swap3A_636 : vector<1x16xf32> to vector<16xf32>
    %swap3A_638 = vector.shape_cast %broadcast_in_dim3A_3 : vector<16xf32> to vector<1x16xf32>
    tpu.vector_store %arg9[%swap3A_634, %swap3A_635], %swap3A_638 {strides = array<i32>} : memref<16x128xf32, #tpu.memory_space<vmem>>, vector<1x16xf32>,
    %swap3A_639 = arith.constant 13 : i32
    %swap3A_640 = arith.index_cast %swap3A_639 : i32 to index
    %swap3A_641 = arith.constant 32 : index
    %swap3A_642 = tpu.vector_load %arg9[%swap3A_640, %swap3A_641] {strides = array<i32>} : memref<16x128xf32, #tpu.memory_space<vmem>>, vector<1x16xf32>,
    %swap3A_643 = vector.shape_cast %swap3A_642 : vector<1x16xf32> to vector<16xf32>
    %swap3A_644 = vector.shape_cast %broadcast_in_dim3A_3 : vector<16xf32> to vector<1x16xf32>
    tpu.vector_store %arg9[%swap3A_640, %swap3A_641], %swap3A_644 {strides = array<i32>} : memref<16x128xf32, #tpu.memory_space<vmem>>, vector<1x16xf32>,
    %swap3A_645 = arith.constant 13 : i32
    %swap3A_646 = arith.index_cast %swap3A_645 : i32 to index
    %swap3A_647 = arith.constant 48 : index
    %swap3A_648 = tpu.vector_load %arg9[%swap3A_646, %swap3A_647] {strides = array<i32>} : memref<16x128xf32, #tpu.memory_space<vmem>>, vector<1x16xf32>,
    %swap3A_649 = vector.shape_cast %swap3A_648 : vector<1x16xf32> to vector<16xf32>
    %swap3A_650 = vector.shape_cast %broadcast_in_dim3A_3 : vector<16xf32> to vector<1x16xf32>
    tpu.vector_store %arg9[%swap3A_646, %swap3A_647], %swap3A_650 {strides = array<i32>} : memref<16x128xf32, #tpu.memory_space<vmem>>, vector<1x16xf32>,
    %swap3A_651 = arith.constant 13 : i32
    %swap3A_652 = arith.index_cast %swap3A_651 : i32 to index
    %swap3A_653 = arith.constant 64 : index
    %swap3A_654 = tpu.vector_load %arg9[%swap3A_652, %swap3A_653] {strides = array<i32>} : memref<16x128xf32, #tpu.memory_space<vmem>>, vector<1x16xf32>,
    %swap3A_655 = vector.shape_cast %swap3A_654 : vector<1x16xf32> to vector<16xf32>
    %swap3A_656 = vector.shape_cast %broadcast_in_dim3A_3 : vector<16xf32> to vector<1x16xf32>
    tpu.vector_store %arg9[%swap3A_652, %swap3A_653], %swap3A_656 {strides = array<i32>} : memref<16x128xf32, #tpu.memory_space<vmem>>, vector<1x16xf32>,
    %swap3A_657 = arith.constant 13 : i32
    %swap3A_658 = arith.index_cast %swap3A_657 : i32 to index
    %swap3A_659 = arith.constant 80 : index
    %swap3A_660 = tpu.vector_load %arg9[%swap3A_658, %swap3A_659] {strides = array<i32>} : memref<16x128xf32, #tpu.memory_space<vmem>>, vector<1x16xf32>,
    %swap3A_661 = vector.shape_cast %swap3A_660 : vector<1x16xf32> to vector<16xf32>
    %swap3A_662 = vector.shape_cast %broadcast_in_dim3A_3 : vector<16xf32> to vector<1x16xf32>
    tpu.vector_store %arg9[%swap3A_658, %swap3A_659], %swap3A_662 {strides = array<i32>} : memref<16x128xf32, #tpu.memory_space<vmem>>, vector<1x16xf32>,
    %swap3A_663 = arith.constant 13 : i32
    %swap3A_664 = arith.index_cast %swap3A_663 : i32 to index
    %swap3A_665 = arith.constant 96 : index
    %swap3A_666 = tpu.vector_load %arg9[%swap3A_664, %swap3A_665] {strides = array<i32>} : memref<16x128xf32, #tpu.memory_space<vmem>>, vector<1x16xf32>,
    %swap3A_667 = vector.shape_cast %swap3A_666 : vector<1x16xf32> to vector<16xf32>
    %swap3A_668 = vector.shape_cast %broadcast_in_dim3A_3 : vector<16xf32> to vector<1x16xf32>
    tpu.vector_store %arg9[%swap3A_664, %swap3A_665], %swap3A_668 {strides = array<i32>} : memref<16x128xf32, #tpu.memory_space<vmem>>, vector<1x16xf32>,
    %swap3A_669 = arith.constant 13 : i32
    %swap3A_670 = arith.index_cast %swap3A_669 : i32 to index
    %swap3A_671 = arith.constant 112 : index
    %swap3A_672 = tpu.vector_load %arg9[%swap3A_670, %swap3A_671] {strides = array<i32>} : memref<16x128xf32, #tpu.memory_space<vmem>>, vector<1x16xf32>,
    %swap3A_673 = vector.shape_cast %swap3A_672 : vector<1x16xf32> to vector<16xf32>
    %swap3A_674 = vector.shape_cast %broadcast_in_dim3A_3 : vector<16xf32> to vector<1x16xf32>
    tpu.vector_store %arg9[%swap3A_670, %swap3A_671], %swap3A_674 {strides = array<i32>} : memref<16x128xf32, #tpu.memory_space<vmem>>, vector<1x16xf32>,
    %swap3A_675 = arith.constant 14 : i32
    %swap3A_676 = arith.index_cast %swap3A_675 : i32 to index
    %swap3A_677 = arith.constant 0 : index
    %swap3A_678 = tpu.vector_load %arg9[%swap3A_676, %swap3A_677] {strides = array<i32>} : memref<16x128xf32, #tpu.memory_space<vmem>>, vector<1x16xf32>,
    %swap3A_679 = vector.shape_cast %swap3A_678 : vector<1x16xf32> to vector<16xf32>
    %swap3A_680 = vector.shape_cast %broadcast_in_dim3A_3 : vector<16xf32> to vector<1x16xf32>
    tpu.vector_store %arg9[%swap3A_676, %swap3A_677], %swap3A_680 {strides = array<i32>} : memref<16x128xf32, #tpu.memory_space<vmem>>, vector<1x16xf32>,
    %swap3A_681 = arith.constant 14 : i32
    %swap3A_682 = arith.index_cast %swap3A_681 : i32 to index
    %swap3A_683 = arith.constant 16 : index
    %swap3A_684 = tpu.vector_load %arg9[%swap3A_682, %swap3A_683] {strides = array<i32>} : memref<16x128xf32, #tpu.memory_space<vmem>>, vector<1x16xf32>,
    %swap3A_685 = vector.shape_cast %swap3A_684 : vector<1x16xf32> to vector<16xf32>
    %swap3A_686 = vector.shape_cast %broadcast_in_dim3A_3 : vector<16xf32> to vector<1x16xf32>
    tpu.vector_store %arg9[%swap3A_682, %swap3A_683], %swap3A_686 {strides = array<i32>} : memref<16x128xf32, #tpu.memory_space<vmem>>, vector<1x16xf32>,
    %swap3A_687 = arith.constant 14 : i32
    %swap3A_688 = arith.index_cast %swap3A_687 : i32 to index
    %swap3A_689 = arith.constant 32 : index
    %swap3A_690 = tpu.vector_load %arg9[%swap3A_688, %swap3A_689] {strides = array<i32>} : memref<16x128xf32, #tpu.memory_space<vmem>>, vector<1x16xf32>,
    %swap3A_691 = vector.shape_cast %swap3A_690 : vector<1x16xf32> to vector<16xf32>
    %swap3A_692 = vector.shape_cast %broadcast_in_dim3A_3 : vector<16xf32> to vector<1x16xf32>
    tpu.vector_store %arg9[%swap3A_688, %swap3A_689], %swap3A_692 {strides = array<i32>} : memref<16x128xf32, #tpu.memory_space<vmem>>, vector<1x16xf32>,
    %swap3A_693 = arith.constant 14 : i32
    %swap3A_694 = arith.index_cast %swap3A_693 : i32 to index
    %swap3A_695 = arith.constant 48 : index
    %swap3A_696 = tpu.vector_load %arg9[%swap3A_694, %swap3A_695] {strides = array<i32>} : memref<16x128xf32, #tpu.memory_space<vmem>>, vector<1x16xf32>,
    %swap3A_697 = vector.shape_cast %swap3A_696 : vector<1x16xf32> to vector<16xf32>
    %swap3A_698 = vector.shape_cast %broadcast_in_dim3A_3 : vector<16xf32> to vector<1x16xf32>
    tpu.vector_store %arg9[%swap3A_694, %swap3A_695], %swap3A_698 {strides = array<i32>} : memref<16x128xf32, #tpu.memory_space<vmem>>, vector<1x16xf32>,
    %swap3A_699 = arith.constant 14 : i32
    %swap3A_700 = arith.index_cast %swap3A_699 : i32 to index
    %swap3A_701 = arith.constant 64 : index
    %swap3A_702 = tpu.vector_load %arg9[%swap3A_700, %swap3A_701] {strides = array<i32>} : memref<16x128xf32, #tpu.memory_space<vmem>>, vector<1x16xf32>,
    %swap3A_703 = vector.shape_cast %swap3A_702 : vector<1x16xf32> to vector<16xf32>
    %swap3A_704 = vector.shape_cast %broadcast_in_dim3A_3 : vector<16xf32> to vector<1x16xf32>
    tpu.vector_store %arg9[%swap3A_700, %swap3A_701], %swap3A_704 {strides = array<i32>} : memref<16x128xf32, #tpu.memory_space<vmem>>, vector<1x16xf32>,
    %swap3A_705 = arith.constant 14 : i32
    %swap3A_706 = arith.index_cast %swap3A_705 : i32 to index
    %swap3A_707 = arith.constant 80 : index
    %swap3A_708 = tpu.vector_load %arg9[%swap3A_706, %swap3A_707] {strides = array<i32>} : memref<16x128xf32, #tpu.memory_space<vmem>>, vector<1x16xf32>,
    %swap3A_709 = vector.shape_cast %swap3A_708 : vector<1x16xf32> to vector<16xf32>
    %swap3A_710 = vector.shape_cast %broadcast_in_dim3A_3 : vector<16xf32> to vector<1x16xf32>
    tpu.vector_store %arg9[%swap3A_706, %swap3A_707], %swap3A_710 {strides = array<i32>} : memref<16x128xf32, #tpu.memory_space<vmem>>, vector<1x16xf32>,
    %swap3A_711 = arith.constant 14 : i32
    %swap3A_712 = arith.index_cast %swap3A_711 : i32 to index
    %swap3A_713 = arith.constant 96 : index
    %swap3A_714 = tpu.vector_load %arg9[%swap3A_712, %swap3A_713] {strides = array<i32>} : memref<16x128xf32, #tpu.memory_space<vmem>>, vector<1x16xf32>,
    %swap3A_715 = vector.shape_cast %swap3A_714 : vector<1x16xf32> to vector<16xf32>
    %swap3A_716 = vector.shape_cast %broadcast_in_dim3A_3 : vector<16xf32> to vector<1x16xf32>
    tpu.vector_store %arg9[%swap3A_712, %swap3A_713], %swap3A_716 {strides = array<i32>} : memref<16x128xf32, #tpu.memory_space<vmem>>, vector<1x16xf32>,
    %swap3A_717 = arith.constant 14 : i32
    %swap3A_718 = arith.index_cast %swap3A_717 : i32 to index
    %swap3A_719 = arith.constant 112 : index
    %swap3A_720 = tpu.vector_load %arg9[%swap3A_718, %swap3A_719] {strides = array<i32>} : memref<16x128xf32, #tpu.memory_space<vmem>>, vector<1x16xf32>,
    %swap3A_721 = vector.shape_cast %swap3A_720 : vector<1x16xf32> to vector<16xf32>
    %swap3A_722 = vector.shape_cast %broadcast_in_dim3A_3 : vector<16xf32> to vector<1x16xf32>
    tpu.vector_store %arg9[%swap3A_718, %swap3A_719], %swap3A_722 {strides = array<i32>} : memref<16x128xf32, #tpu.memory_space<vmem>>, vector<1x16xf32>,
    %swap3A_723 = arith.constant 15 : i32
    %swap3A_724 = arith.index_cast %swap3A_723 : i32 to index
    %swap3A_725 = arith.constant 0 : index
    %swap3A_726 = tpu.vector_load %arg9[%swap3A_724, %swap3A_725] {strides = array<i32>} : memref<16x128xf32, #tpu.memory_space<vmem>>, vector<1x16xf32>,
    %swap3A_727 = vector.shape_cast %swap3A_726 : vector<1x16xf32> to vector<16xf32>
    %swap3A_728 = vector.shape_cast %broadcast_in_dim3A_3 : vector<16xf32> to vector<1x16xf32>
    tpu.vector_store %arg9[%swap3A_724, %swap3A_725], %swap3A_728 {strides = array<i32>} : memref<16x128xf32, #tpu.memory_space<vmem>>, vector<1x16xf32>,
    %swap3A_729 = arith.constant 15 : i32
    %swap3A_730 = arith.index_cast %swap3A_729 : i32 to index
    %swap3A_731 = arith.constant 16 : index
    %swap3A_732 = tpu.vector_load %arg9[%swap3A_730, %swap3A_731] {strides = array<i32>} : memref<16x128xf32, #tpu.memory_space<vmem>>, vector<1x16xf32>,
    %swap3A_733 = vector.shape_cast %swap3A_732 : vector<1x16xf32> to vector<16xf32>
    %swap3A_734 = vector.shape_cast %broadcast_in_dim3A_3 : vector<16xf32> to vector<1x16xf32>
    tpu.vector_store %arg9[%swap3A_730, %swap3A_731], %swap3A_734 {strides = array<i32>} : memref<16x128xf32, #tpu.memory_space<vmem>>, vector<1x16xf32>,
    %swap3A_735 = arith.constant 15 : i32
    %swap3A_736 = arith.index_cast %swap3A_735 : i32 to index
    %swap3A_737 = arith.constant 32 : index
    %swap3A_738 = tpu.vector_load %arg9[%swap3A_736, %swap3A_737] {strides = array<i32>} : memref<16x128xf32, #tpu.memory_space<vmem>>, vector<1x16xf32>,
    %swap3A_739 = vector.shape_cast %swap3A_738 : vector<1x16xf32> to vector<16xf32>
    %swap3A_740 = vector.shape_cast %broadcast_in_dim3A_3 : vector<16xf32> to vector<1x16xf32>
    tpu.vector_store %arg9[%swap3A_736, %swap3A_737], %swap3A_740 {strides = array<i32>} : memref<16x128xf32, #tpu.memory_space<vmem>>, vector<1x16xf32>,
    %swap3A_741 = arith.constant 15 : i32
    %swap3A_742 = arith.index_cast %swap3A_741 : i32 to index
    %swap3A_743 = arith.constant 48 : index
    %swap3A_744 = tpu.vector_load %arg9[%swap3A_742, %swap3A_743] {strides = array<i32>} : memref<16x128xf32, #tpu.memory_space<vmem>>, vector<1x16xf32>,
    %swap3A_745 = vector.shape_cast %swap3A_744 : vector<1x16xf32> to vector<16xf32>
    %swap3A_746 = vector.shape_cast %broadcast_in_dim3A_3 : vector<16xf32> to vector<1x16xf32>
    tpu.vector_store %arg9[%swap3A_742, %swap3A_743], %swap3A_746 {strides = array<i32>} : memref<16x128xf32, #tpu.memory_space<vmem>>, vector<1x16xf32>,
    %swap3A_747 = arith.constant 15 : i32
    %swap3A_748 = arith.index_cast %swap3A_747 : i32 to index
    %swap3A_749 = arith.constant 64 : index
    %swap3A_750 = tpu.vector_load %arg9[%swap3A_748, %swap3A_749] {strides = array<i32>} : memref<16x128xf32, #tpu.memory_space<vmem>>, vector<1x16xf32>,
    %swap3A_751 = vector.shape_cast %swap3A_750 : vector<1x16xf32> to vector<16xf32>
    %swap3A_752 = vector.shape_cast %broadcast_in_dim3A_3 : vector<16xf32> to vector<1x16xf32>
    tpu.vector_store %arg9[%swap3A_748, %swap3A_749], %swap3A_752 {strides = array<i32>} : memref<16x128xf32, #tpu.memory_space<vmem>>, vector<1x16xf32>,
    %swap3A_753 = arith.constant 15 : i32
    %swap3A_754 = arith.index_cast %swap3A_753 : i32 to index
    %swap3A_755 = arith.constant 80 : index
    %swap3A_756 = tpu.vector_load %arg9[%swap3A_754, %swap3A_755] {strides = array<i32>} : memref<16x128xf32, #tpu.memory_space<vmem>>, vector<1x16xf32>,
    %swap3A_757 = vector.shape_cast %swap3A_756 : vector<1x16xf32> to vector<16xf32>
    %swap3A_758 = vector.shape_cast %broadcast_in_dim3A_3 : vector<16xf32> to vector<1x16xf32>
    tpu.vector_store %arg9[%swap3A_754, %swap3A_755], %swap3A_758 {strides = array<i32>} : memref<16x128xf32, #tpu.memory_space<vmem>>, vector<1x16xf32>,
    %swap3A_759 = arith.constant 15 : i32
    %swap3A_760 = arith.index_cast %swap3A_759 : i32 to index
    %swap3A_761 = arith.constant 96 : index
    %swap3A_762 = tpu.vector_load %arg9[%swap3A_760, %swap3A_761] {strides = array<i32>} : memref<16x128xf32, #tpu.memory_space<vmem>>, vector<1x16xf32>,
    %swap3A_763 = vector.shape_cast %swap3A_762 : vector<1x16xf32> to vector<16xf32>
    %swap3A_764 = vector.shape_cast %broadcast_in_dim3A_3 : vector<16xf32> to vector<1x16xf32>
    tpu.vector_store %arg9[%swap3A_760, %swap3A_761], %swap3A_764 {strides = array<i32>} : memref<16x128xf32, #tpu.memory_space<vmem>>, vector<1x16xf32>,
    %swap3A_765 = arith.constant 15 : i32
    %swap3A_766 = arith.index_cast %swap3A_765 : i32 to index
    %swap3A_767 = arith.constant 112 : index
    %swap3A_768 = tpu.vector_load %arg9[%swap3A_766, %swap3A_767] {strides = array<i32>} : memref<16x128xf32, #tpu.memory_space<vmem>>, vector<1x16xf32>,
    %swap3A_769 = vector.shape_cast %swap3A_768 : vector<1x16xf32> to vector<16xf32>
    %swap3A_770 = vector.shape_cast %broadcast_in_dim3A_3 : vector<16xf32> to vector<1x16xf32>
    tpu.vector_store %arg9[%swap3A_766, %swap3A_767], %swap3A_770 {strides = array<i32>} : memref<16x128xf32, #tpu.memory_space<vmem>>, vector<1x16xf32>,
    %mul3A_771 = arith.constant 16 : i32
    %mul3A_772 = arith.muli %arg1, %mul3A_771 : i32
    "tpu.region"() ({
      %run_scoped3A = tpu.sem_alloc : memref<!tpu.dma_semaphore, #tpu.memory_space<semaphore_mem>>
      %dma_start3A_821 = arith.constant 0 : i32
      %dma_start3A_822 = tpu.memref_slice %arg10[%mul3A_772, %dma_start3A_821] : memref<256x128xf32, #tpu.memory_space<vmem_shared>> -> memref<16x128xf32, #tpu.memory_space<vmem_shared>>
      %dma_start3A_823 = arith.constant 0 : i32
      %dma_start3A_824 = tpu.memref_slice %arg10[%mul3A_772, %dma_start3A_823] : memref<256x128xf32, #tpu.memory_space<vmem_shared>> -> memref<16x128xf32, #tpu.memory_space<vmem_shared>>
      tpu.enqueue_dma source(%arg9 : memref<16x128xf32, #tpu.memory_space<vmem>>) target(%dma_start3A_824 : memref<16x128xf32, #tpu.memory_space<vmem_shared>>) target_semaphore(%run_scoped3A : memref<!tpu.dma_semaphore, #tpu.memory_space<semaphore_mem>>)
      %dma_wait3A_825 = arith.constant 0 : i32
      %dma_wait3A_826 = tpu.memref_slice %arg10[%mul3A_772, %dma_wait3A_825] : memref<256x128xf32, #tpu.memory_space<vmem_shared>> -> memref<16x128xf32, #tpu.memory_space<vmem_shared>>
      %dma_wait3A_827 = arith.constant 0 : i32
      %dma_wait3A_828 = tpu.memref_slice %arg10[%mul3A_772, %dma_wait3A_827] : memref<256x128xf32, #tpu.memory_space<vmem_shared>> -> memref<16x128xf32, #tpu.memory_space<vmem_shared>>
      tpu.wait_dma2 semaphore(%run_scoped3A : memref<!tpu.dma_semaphore, #tpu.memory_space<semaphore_mem>>) src(%arg9 : memref<16x128xf32, #tpu.memory_space<vmem>>) dst(%dma_wait3A_828 : memref<16x128xf32, #tpu.memory_space<vmem_shared>>)
      tpu.yield
    }) : () -> ()
    %barrier3A = arith.constant 0 : index
    tpu.barrier barrier_id(%barrier3A)
    %add3A_773 = arith.constant 0 : i32
    %add3A_774 = arith.addi %mul3A_2, %add3A_773 : i32
    %dma_start3A = arith.constant 0 : i32
    %dma_start3A_775 = tpu.memref_slice %arg2[%add3A_774, %dma_start3A] : memref<320000x128xf32, #tpu.memory_space<hbm>> -> memref<80x128xf32, #tpu.memory_space<hbm>>
    %dma_start3A_776 = arith.constant 0 : i32
    %dma_start3A_777 = tpu.memref_slice %arg2[%add3A_774, %dma_start3A_776] : memref<320000x128xf32, #tpu.memory_space<hbm>> -> memref<80x128xf32, #tpu.memory_space<hbm>>
    tpu.enqueue_dma source(%dma_start3A_777 : memref<80x128xf32, #tpu.memory_space<hbm>>) target(%arg5 : memref<80x128xf32, #tpu.memory_space<vmem>>) target_semaphore(%arg11 : memref<!tpu.dma_semaphore, #tpu.memory_space<semaphore_mem>>)
    %add3A_778 = arith.constant 0 : i32
    %add3A_779 = arith.addi %mul3A_2, %add3A_778 : i32
    %dma_start3A_780 = tpu.memref_slice %arg3[%add3A_779] : memref<320000xi32, #tpu.memory_space<hbm>> -> memref<80xi32, #tpu.memory_space<hbm>>
    %dma_start3A_781 = tpu.memref_slice %arg3[%add3A_779] : memref<320000xi32, #tpu.memory_space<hbm>> -> memref<80xi32, #tpu.memory_space<hbm>>
    tpu.enqueue_dma source(%dma_start3A_781 : memref<80xi32, #tpu.memory_space<hbm>>) target(%arg7 : memref<80xi32, #tpu.memory_space<vmem>>) target_semaphore(%arg13 : memref<!tpu.dma_semaphore, #tpu.memory_space<semaphore_mem>>)
    %add3A_782 = arith.constant 80 : i32
    %add3A_783 = arith.addi %mul3A_2, %add3A_782 : i32
    %dma_start3A_784 = arith.constant 0 : i32
    %dma_start3A_785 = tpu.memref_slice %arg2[%add3A_783, %dma_start3A_784] : memref<320000x128xf32, #tpu.memory_space<hbm>> -> memref<80x128xf32, #tpu.memory_space<hbm>>
    %dma_start3A_786 = arith.constant 0 : i32
    %dma_start3A_787 = tpu.memref_slice %arg2[%add3A_783, %dma_start3A_786] : memref<320000x128xf32, #tpu.memory_space<hbm>> -> memref<80x128xf32, #tpu.memory_space<hbm>>
    tpu.enqueue_dma source(%dma_start3A_787 : memref<80x128xf32, #tpu.memory_space<hbm>>) target(%arg6 : memref<80x128xf32, #tpu.memory_space<vmem>>) target_semaphore(%arg12 : memref<!tpu.dma_semaphore, #tpu.memory_space<semaphore_mem>>)
    %add3A_788 = arith.constant 80 : i32
    %add3A_789 = arith.addi %mul3A_2, %add3A_788 : i32
    %dma_start3A_790 = tpu.memref_slice %arg3[%add3A_789] : memref<320000xi32, #tpu.memory_space<hbm>> -> memref<80xi32, #tpu.memory_space<hbm>>
    %dma_start3A_791 = tpu.memref_slice %arg3[%add3A_789] : memref<320000xi32, #tpu.memory_space<hbm>> -> memref<80xi32, #tpu.memory_space<hbm>>
    tpu.enqueue_dma source(%dma_start3A_791 : memref<80xi32, #tpu.memory_space<hbm>>) target(%arg8 : memref<80xi32, #tpu.memory_space<vmem>>) target_semaphore(%arg14 : memref<!tpu.dma_semaphore, #tpu.memory_space<semaphore_mem>>)
    %scan3A = arith.constant 0 : i32
    %scan3A_792 = arith.constant 0 : i32
    %scan3A_793 = arith.constant 12 : i32
    %scan3A_794 = arith.addi %scan3A_792, %scan3A_793 : i32
    %scan3A_795 = arith.constant 1 : i32
    scf.for %scan3A_821 = %scan3A_792 to %scan3A_794 step %scan3A_795  : i32 {
      %mul3A_822 = arith.constant 2 : i32
      %mul3A_823 = arith.muli %mul3A_822, %scan3A_821 : i32
      %dma_wait3A_824 = arith.constant 0 : i32
      %dma_wait3A_825 = arith.constant 0 : i32
      %dma_wait3A_826 = tpu.memref_slice %arg2[%dma_wait3A_824, %dma_wait3A_825] : memref<320000x128xf32, #tpu.memory_space<hbm>> -> memref<80x128xf32, #tpu.memory_space<hbm>>
      %dma_wait3A_827 = arith.constant 0 : i32
      %dma_wait3A_828 = arith.constant 0 : i32
      %dma_wait3A_829 = tpu.memref_slice %arg2[%dma_wait3A_827, %dma_wait3A_828] : memref<320000x128xf32, #tpu.memory_space<hbm>> -> memref<80x128xf32, #tpu.memory_space<hbm>>
      tpu.wait_dma2 semaphore(%arg11 : memref<!tpu.dma_semaphore, #tpu.memory_space<semaphore_mem>>) src(%dma_wait3A_829 : memref<80x128xf32, #tpu.memory_space<hbm>>) dst(%arg5 : memref<80x128xf32, #tpu.memory_space<vmem>>)
      %dma_wait3A_830 = arith.constant 0 : i32
      %dma_wait3A_831 = tpu.memref_slice %arg3[%dma_wait3A_830] : memref<320000xi32, #tpu.memory_space<hbm>> -> memref<80xi32, #tpu.memory_space<hbm>>
      %dma_wait3A_832 = arith.constant 0 : i32
      %dma_wait3A_833 = tpu.memref_slice %arg3[%dma_wait3A_832] : memref<320000xi32, #tpu.memory_space<hbm>> -> memref<80xi32, #tpu.memory_space<hbm>>
      tpu.wait_dma2 semaphore(%arg13 : memref<!tpu.dma_semaphore, #tpu.memory_space<semaphore_mem>>) src(%dma_wait3A_833 : memref<80xi32, #tpu.memory_space<hbm>>) dst(%arg7 : memref<80xi32, #tpu.memory_space<vmem>>)
      "tpu.region"() ({
        %run_scoped3A = tpu.sem_alloc : memref<!tpu.dma_semaphore, #tpu.memory_space<semaphore_mem>>
        %dma_start3A_873 = arith.constant 0 : i32
        %dma_start3A_874 = arith.constant 0 : i32
        %dma_start3A_875 = tpu.memref_slice %arg10[%dma_start3A_873, %dma_start3A_874] : memref<256x128xf32, #tpu.memory_space<vmem_shared>> -> memref<256x128xf32, #tpu.memory_space<vmem_shared>>
        tpu.enqueue_indirect_dma source(%arg5 : memref<80x128xf32, #tpu.memory_space<vmem>>) target(%dma_start3A_875 : memref<256x128xf32, #tpu.memory_space<vmem_shared>>) offsets(%arg7 : memref<80xi32, #tpu.memory_space<vmem>>) semaphore(%run_scoped3A : memref<!tpu.dma_semaphore, #tpu.memory_space<semaphore_mem>>) {add = true}
        %dma_wait3A_876 = arith.constant 0 : i32
        %dma_wait3A_877 = arith.constant 0 : i32
        %dma_wait3A_878 = tpu.memref_slice %arg10[%dma_wait3A_876, %dma_wait3A_877] : memref<256x128xf32, #tpu.memory_space<vmem_shared>> -> memref<256x128xf32, #tpu.memory_space<vmem_shared>>
        tpu.wait_indirect_dma semaphore(%run_scoped3A : memref<!tpu.dma_semaphore, #tpu.memory_space<semaphore_mem>>) src(%arg5 : memref<80x128xf32, #tpu.memory_space<vmem>>) dst(%dma_wait3A_878 : memref<256x128xf32, #tpu.memory_space<vmem_shared>>)
        tpu.yield
      }) : () -> ()
      %add3A_834 = arith.constant 2 : i32
      %add3A_835 = arith.addi %mul3A_823, %add3A_834 : i32
      %mul3A_836 = arith.constant 80 : i32
      %mul3A_837 = arith.muli %add3A_835, %mul3A_836 : i32
      %add3A_838 = arith.addi %mul3A_2, %mul3A_837 : i32
      %dma_start3A_839 = arith.constant 0 : i32
      %dma_start3A_840 = tpu.memref_slice %arg2[%add3A_838, %dma_start3A_839] : memref<320000x128xf32, #tpu.memory_space<hbm>> -> memref<80x128xf32, #tpu.memory_space<hbm>>
      %dma_start3A_841 = arith.constant 0 : i32
      %dma_start3A_842 = tpu.memref_slice %arg2[%add3A_838, %dma_start3A_841] : memref<320000x128xf32, #tpu.memory_space<hbm>> -> memref<80x128xf32, #tpu.memory_space<hbm>>
      tpu.enqueue_dma source(%dma_start3A_842 : memref<80x128xf32, #tpu.memory_space<hbm>>) target(%arg5 : memref<80x128xf32, #tpu.memory_space<vmem>>) target_semaphore(%arg11 : memref<!tpu.dma_semaphore, #tpu.memory_space<semaphore_mem>>)
      %mul3A_843 = arith.constant 80 : i32
      %mul3A_844 = arith.muli %add3A_835, %mul3A_843 : i32
      %add3A_845 = arith.addi %mul3A_2, %mul3A_844 : i32
      %dma_start3A_846 = tpu.memref_slice %arg3[%add3A_845] : memref<320000xi32, #tpu.memory_space<hbm>> -> memref<80xi32, #tpu.memory_space<hbm>>
      %dma_start3A_847 = tpu.memref_slice %arg3[%add3A_845] : memref<320000xi32, #tpu.memory_space<hbm>> -> memref<80xi32, #tpu.memory_space<hbm>>
      tpu.enqueue_dma source(%dma_start3A_847 : memref<80xi32, #tpu.memory_space<hbm>>) target(%arg7 : memref<80xi32, #tpu.memory_space<vmem>>) target_semaphore(%arg13 : memref<!tpu.dma_semaphore, #tpu.memory_space<semaphore_mem>>)
      %dma_wait3A_848 = arith.constant 0 : i32
      %dma_wait3A_849 = arith.constant 0 : i32
      %dma_wait3A_850 = tpu.memref_slice %arg2[%dma_wait3A_848, %dma_wait3A_849] : memref<320000x128xf32, #tpu.memory_space<hbm>> -> memref<80x128xf32, #tpu.memory_space<hbm>>
      %dma_wait3A_851 = arith.constant 0 : i32
      %dma_wait3A_852 = arith.constant 0 : i32
      %dma_wait3A_853 = tpu.memref_slice %arg2[%dma_wait3A_851, %dma_wait3A_852] : memref<320000x128xf32, #tpu.memory_space<hbm>> -> memref<80x128xf32, #tpu.memory_space<hbm>>
      tpu.wait_dma2 semaphore(%arg12 : memref<!tpu.dma_semaphore, #tpu.memory_space<semaphore_mem>>) src(%dma_wait3A_853 : memref<80x128xf32, #tpu.memory_space<hbm>>) dst(%arg6 : memref<80x128xf32, #tpu.memory_space<vmem>>)
      %dma_wait3A_854 = arith.constant 0 : i32
      %dma_wait3A_855 = tpu.memref_slice %arg3[%dma_wait3A_854] : memref<320000xi32, #tpu.memory_space<hbm>> -> memref<80xi32, #tpu.memory_space<hbm>>
      %dma_wait3A_856 = arith.constant 0 : i32
      %dma_wait3A_857 = tpu.memref_slice %arg3[%dma_wait3A_856] : memref<320000xi32, #tpu.memory_space<hbm>> -> memref<80xi32, #tpu.memory_space<hbm>>
      tpu.wait_dma2 semaphore(%arg14 : memref<!tpu.dma_semaphore, #tpu.memory_space<semaphore_mem>>) src(%dma_wait3A_857 : memref<80xi32, #tpu.memory_space<hbm>>) dst(%arg8 : memref<80xi32, #tpu.memory_space<vmem>>)
      "tpu.region"() ({
        %run_scoped3A = tpu.sem_alloc : memref<!tpu.dma_semaphore, #tpu.memory_space<semaphore_mem>>
        %dma_start3A_873 = arith.constant 0 : i32
        %dma_start3A_874 = arith.constant 0 : i32
        %dma_start3A_875 = tpu.memref_slice %arg10[%dma_start3A_873, %dma_start3A_874] : memref<256x128xf32, #tpu.memory_space<vmem_shared>> -> memref<256x128xf32, #tpu.memory_space<vmem_shared>>
        tpu.enqueue_indirect_dma source(%arg6 : memref<80x128xf32, #tpu.memory_space<vmem>>) target(%dma_start3A_875 : memref<256x128xf32, #tpu.memory_space<vmem_shared>>) offsets(%arg8 : memref<80xi32, #tpu.memory_space<vmem>>) semaphore(%run_scoped3A : memref<!tpu.dma_semaphore, #tpu.memory_space<semaphore_mem>>) {add = true}
        %dma_wait3A_876 = arith.constant 0 : i32
        %dma_wait3A_877 = arith.constant 0 : i32
        %dma_wait3A_878 = tpu.memref_slice %arg10[%dma_wait3A_876, %dma_wait3A_877] : memref<256x128xf32, #tpu.memory_space<vmem_shared>> -> memref<256x128xf32, #tpu.memory_space<vmem_shared>>
        tpu.wait_indirect_dma semaphore(%run_scoped3A : memref<!tpu.dma_semaphore, #tpu.memory_space<semaphore_mem>>) src(%arg6 : memref<80x128xf32, #tpu.memory_space<vmem>>) dst(%dma_wait3A_878 : memref<256x128xf32, #tpu.memory_space<vmem_shared>>)
        tpu.yield
      }) : () -> ()
      %add3A_858 = arith.constant 3 : i32
      %add3A_859 = arith.addi %mul3A_823, %add3A_858 : i32
      %min3A = arith.constant 24 : i32
      %min3A_860 = arith.minsi %add3A_859, %min3A : i32
      %mul3A_861 = arith.constant 80 : i32
      %mul3A_862 = arith.muli %min3A_860, %mul3A_861 : i32
      %add3A_863 = arith.addi %mul3A_2, %mul3A_862 : i32
      %dma_start3A_864 = arith.constant 0 : i32
      %dma_start3A_865 = tpu.memref_slice %arg2[%add3A_863, %dma_start3A_864] : memref<320000x128xf32, #tpu.memory_space<hbm>> -> memref<80x128xf32, #tpu.memory_space<hbm>>
      %dma_start3A_866 = arith.constant 0 : i32
      %dma_start3A_867 = tpu.memref_slice %arg2[%add3A_863, %dma_start3A_866] : memref<320000x128xf32, #tpu.memory_space<hbm>> -> memref<80x128xf32, #tpu.memory_space<hbm>>
      tpu.enqueue_dma source(%dma_start3A_867 : memref<80x128xf32, #tpu.memory_space<hbm>>) target(%arg6 : memref<80x128xf32, #tpu.memory_space<vmem>>) target_semaphore(%arg12 : memref<!tpu.dma_semaphore, #tpu.memory_space<semaphore_mem>>)
      %mul3A_868 = arith.constant 80 : i32
      %mul3A_869 = arith.muli %min3A_860, %mul3A_868 : i32
      %add3A_870 = arith.addi %mul3A_2, %mul3A_869 : i32
      %dma_start3A_871 = tpu.memref_slice %arg3[%add3A_870] : memref<320000xi32, #tpu.memory_space<hbm>> -> memref<80xi32, #tpu.memory_space<hbm>>
      %dma_start3A_872 = tpu.memref_slice %arg3[%add3A_870] : memref<320000xi32, #tpu.memory_space<hbm>> -> memref<80xi32, #tpu.memory_space<hbm>>
      tpu.enqueue_dma source(%dma_start3A_872 : memref<80xi32, #tpu.memory_space<hbm>>) target(%arg8 : memref<80xi32, #tpu.memory_space<vmem>>) target_semaphore(%arg14 : memref<!tpu.dma_semaphore, #tpu.memory_space<semaphore_mem>>)
    }
    %scan3A_796 = arith.constant 12 : i32
    %dma_wait3A = arith.constant 0 : i32
    %dma_wait3A_797 = arith.constant 0 : i32
    %dma_wait3A_798 = tpu.memref_slice %arg2[%dma_wait3A, %dma_wait3A_797] : memref<320000x128xf32, #tpu.memory_space<hbm>> -> memref<80x128xf32, #tpu.memory_space<hbm>>
    %dma_wait3A_799 = arith.constant 0 : i32
    %dma_wait3A_800 = arith.constant 0 : i32
    %dma_wait3A_801 = tpu.memref_slice %arg2[%dma_wait3A_799, %dma_wait3A_800] : memref<320000x128xf32, #tpu.memory_space<hbm>> -> memref<80x128xf32, #tpu.memory_space<hbm>>
    tpu.wait_dma2 semaphore(%arg11 : memref<!tpu.dma_semaphore, #tpu.memory_space<semaphore_mem>>) src(%dma_wait3A_801 : memref<80x128xf32, #tpu.memory_space<hbm>>) dst(%arg5 : memref<80x128xf32, #tpu.memory_space<vmem>>)
    %dma_wait3A_802 = arith.constant 0 : i32
    %dma_wait3A_803 = tpu.memref_slice %arg3[%dma_wait3A_802] : memref<320000xi32, #tpu.memory_space<hbm>> -> memref<80xi32, #tpu.memory_space<hbm>>
    %dma_wait3A_804 = arith.constant 0 : i32
    %dma_wait3A_805 = tpu.memref_slice %arg3[%dma_wait3A_804] : memref<320000xi32, #tpu.memory_space<hbm>> -> memref<80xi32, #tpu.memory_space<hbm>>
    tpu.wait_dma2 semaphore(%arg13 : memref<!tpu.dma_semaphore, #tpu.memory_space<semaphore_mem>>) src(%dma_wait3A_805 : memref<80xi32, #tpu.memory_space<hbm>>) dst(%arg7 : memref<80xi32, #tpu.memory_space<vmem>>)
    "tpu.region"() ({
      %run_scoped3A = tpu.sem_alloc : memref<!tpu.dma_semaphore, #tpu.memory_space<semaphore_mem>>
      %dma_start3A_821 = arith.constant 0 : i32
      %dma_start3A_822 = arith.constant 0 : i32
      %dma_start3A_823 = tpu.memref_slice %arg10[%dma_start3A_821, %dma_start3A_822] : memref<256x128xf32, #tpu.memory_space<vmem_shared>> -> memref<256x128xf32, #tpu.memory_space<vmem_shared>>
      tpu.enqueue_indirect_dma source(%arg5 : memref<80x128xf32, #tpu.memory_space<vmem>>) target(%dma_start3A_823 : memref<256x128xf32, #tpu.memory_space<vmem_shared>>) offsets(%arg7 : memref<80xi32, #tpu.memory_space<vmem>>) semaphore(%run_scoped3A : memref<!tpu.dma_semaphore, #tpu.memory_space<semaphore_mem>>) {add = true}
      %dma_wait3A_824 = arith.constant 0 : i32
      %dma_wait3A_825 = arith.constant 0 : i32
      %dma_wait3A_826 = tpu.memref_slice %arg10[%dma_wait3A_824, %dma_wait3A_825] : memref<256x128xf32, #tpu.memory_space<vmem_shared>> -> memref<256x128xf32, #tpu.memory_space<vmem_shared>>
      tpu.wait_indirect_dma semaphore(%run_scoped3A : memref<!tpu.dma_semaphore, #tpu.memory_space<semaphore_mem>>) src(%arg5 : memref<80x128xf32, #tpu.memory_space<vmem>>) dst(%dma_wait3A_826 : memref<256x128xf32, #tpu.memory_space<vmem_shared>>)
      tpu.yield
    }) : () -> ()
    %dma_wait3A_806 = arith.constant 0 : i32
    %dma_wait3A_807 = arith.constant 0 : i32
    %dma_wait3A_808 = tpu.memref_slice %arg2[%dma_wait3A_806, %dma_wait3A_807] : memref<320000x128xf32, #tpu.memory_space<hbm>> -> memref<80x128xf32, #tpu.memory_space<hbm>>
    %dma_wait3A_809 = arith.constant 0 : i32
    %dma_wait3A_810 = arith.constant 0 : i32
    %dma_wait3A_811 = tpu.memref_slice %arg2[%dma_wait3A_809, %dma_wait3A_810] : memref<320000x128xf32, #tpu.memory_space<hbm>> -> memref<80x128xf32, #tpu.memory_space<hbm>>
    tpu.wait_dma2 semaphore(%arg12 : memref<!tpu.dma_semaphore, #tpu.memory_space<semaphore_mem>>) src(%dma_wait3A_811 : memref<80x128xf32, #tpu.memory_space<hbm>>) dst(%arg6 : memref<80x128xf32, #tpu.memory_space<vmem>>)
    %dma_wait3A_812 = arith.constant 0 : i32
    %dma_wait3A_813 = tpu.memref_slice %arg3[%dma_wait3A_812] : memref<320000xi32, #tpu.memory_space<hbm>> -> memref<80xi32, #tpu.memory_space<hbm>>
    %dma_wait3A_814 = arith.constant 0 : i32
    %dma_wait3A_815 = tpu.memref_slice %arg3[%dma_wait3A_814] : memref<320000xi32, #tpu.memory_space<hbm>> -> memref<80xi32, #tpu.memory_space<hbm>>
    tpu.wait_dma2 semaphore(%arg14 : memref<!tpu.dma_semaphore, #tpu.memory_space<semaphore_mem>>) src(%dma_wait3A_815 : memref<80xi32, #tpu.memory_space<hbm>>) dst(%arg8 : memref<80xi32, #tpu.memory_space<vmem>>)
    %barrier3A_816 = arith.constant 0 : index
    tpu.barrier barrier_id(%barrier3A_816)
    %mul3A_817 = arith.constant 16 : i32
    %mul3A_818 = arith.muli %arg1, %mul3A_817 : i32
    %mul3A_819 = arith.constant 16 : i32
    %mul3A_820 = arith.muli %arg1, %mul3A_819 : i32
    "tpu.region"() ({
      %run_scoped3A = tpu.sem_alloc : memref<!tpu.dma_semaphore, #tpu.memory_space<semaphore_mem>>
      %dma_start3A_821 = arith.constant 0 : i32
      %dma_start3A_822 = tpu.memref_slice %arg4[%arg0, %mul3A_820, %dma_start3A_821] : memref<2x256x128xf32, #tpu.memory_space<hbm>> -> memref<1x16x128xf32, #tpu.memory_space<hbm>>
      %dma_start3A_823 = tpu.memref_squeeze %dma_start3A_822 : memref<1x16x128xf32, #tpu.memory_space<hbm>> -> memref<16x128xf32, #tpu.memory_space<hbm>>
      %dma_start3A_824 = arith.constant 0 : i32
      %dma_start3A_825 = tpu.memref_slice %arg10[%mul3A_818, %dma_start3A_824] : memref<256x128xf32, #tpu.memory_space<vmem_shared>> -> memref<16x128xf32, #tpu.memory_space<vmem_shared>>
      tpu.enqueue_dma source(%dma_start3A_825 : memref<16x128xf32, #tpu.memory_space<vmem_shared>>) target(%dma_start3A_823 : memref<16x128xf32, #tpu.memory_space<hbm>>) target_semaphore(%run_scoped3A : memref<!tpu.dma_semaphore, #tpu.memory_space<semaphore_mem>>)
      %dma_wait3A_826 = arith.constant 0 : i32
      %dma_wait3A_827 = tpu.memref_slice %arg4[%arg0, %mul3A_820, %dma_wait3A_826] : memref<2x256x128xf32, #tpu.memory_space<hbm>> -> memref<1x16x128xf32, #tpu.memory_space<hbm>>
      %dma_wait3A_828 = tpu.memref_squeeze %dma_wait3A_827 : memref<1x16x128xf32, #tpu.memory_space<hbm>> -> memref<16x128xf32, #tpu.memory_space<hbm>>
      %dma_wait3A_829 = arith.constant 0 : i32
      %dma_wait3A_830 = tpu.memref_slice %arg10[%mul3A_818, %dma_wait3A_829] : memref<256x128xf32, #tpu.memory_space<vmem_shared>> -> memref<16x128xf32, #tpu.memory_space<vmem_shared>>
      tpu.wait_dma2 semaphore(%run_scoped3A : memref<!tpu.dma_semaphore, #tpu.memory_space<semaphore_mem>>) src(%dma_wait3A_830 : memref<16x128xf32, #tpu.memory_space<vmem_shared>>) dst(%dma_wait3A_828 : memref<16x128xf32, #tpu.memory_space<hbm>>)
      tpu.yield
    }) : () -> ()
    return
  }
}

module attributes {stable_mosaic.version = 14 : i64} {
  func.func @_tc_finish(%arg0: memref<2x256x128xf32, #tpu.memory_space<vmem>>, %arg1: memref<256x128xf32, #tpu.memory_space<vmem>>, %arg2: memref<16x128xf32, #tpu.memory_space<vmem>>, %arg3: memref<256x16xf32, #tpu.memory_space<vmem>>, %arg4: memref<256x128xf32, #tpu.memory_space<vmem>>) attributes {dimension_semantics = [], scalar_prefetch = 0 : i64, scratch_operands = 0 : i64, tpu.core_type = #tpu.core_type<tc>} {
    %get3A = arith.constant 0 : index
    %get3A_0 = arith.constant 0 : index
    %get3A_1 = arith.constant 0 : index
    %get3A_2 = vector.load %arg0[%get3A, %get3A_0, %get3A_1] : memref<2x256x128xf32, #tpu.memory_space<vmem>>, vector<1x256x128xf32>
    %get3A_3 = vector.shape_cast %get3A_2 : vector<1x256x128xf32> to vector<256x128xf32>
    %get3A_4 = arith.constant 1 : index
    %get3A_5 = arith.constant 0 : index
    %get3A_6 = arith.constant 0 : index
    %get3A_7 = vector.load %arg0[%get3A_4, %get3A_5, %get3A_6] : memref<2x256x128xf32, #tpu.memory_space<vmem>>, vector<1x256x128xf32>
    %get3A_8 = vector.shape_cast %get3A_7 : vector<1x256x128xf32> to vector<256x128xf32>
    %add3A = arith.addf %get3A_3, %get3A_8 : vector<256x128xf32>
    %get3A_9 = arith.constant 0 : index
    %get3A_10 = arith.constant 0 : index
    %get3A_11 = vector.load %arg1[%get3A_9, %get3A_10] : memref<256x128xf32, #tpu.memory_space<vmem>>, vector<256x128xf32>
    %add3A_12 = arith.addf %add3A, %get3A_11 : vector<256x128xf32>
    %reduce_sum3A = arith.constant dense<0.000000e+00> : vector<256xf32>
    %reduce_sum3A_13 = vector.multi_reduction <add>, %add3A_12, %reduce_sum3A [1] : vector<256x128xf32> to vector<256xf32>
    %broadcast_in_dim3A = vector.shape_cast %reduce_sum3A_13 : vector<256xf32> to vector<256x1xf32>
    %jit3A = arith.constant 9.99999996E-13 : f32
    %max3A = vector.broadcast %jit3A : f32 to vector<256x1xf32>
    %max3A_14 = arith.maximumf %max3A, %broadcast_in_dim3A : vector<256x1xf32>
    %div3A = arith.constant 1.000000e+06 : f32
    %div3A_15 = vector.broadcast %div3A : f32 to vector<256x1xf32>
    %div3A_16 = arith.divf %div3A_15, %max3A_14 : vector<256x1xf32>
    %mul3A = vector.broadcast %div3A_16 : vector<256x1xf32> to vector<256x128xf32>
    %mul3A_17 = arith.mulf %add3A_12, %mul3A : vector<256x128xf32>
    %swap3A = arith.constant 0 : index
    %swap3A_18 = arith.constant 0 : index
    %swap3A_19 = vector.load %arg4[%swap3A, %swap3A_18] : memref<256x128xf32, #tpu.memory_space<vmem>>, vector<256x128xf32>
    tpu.vector_store %arg4[%swap3A, %swap3A_18], %mul3A_17 {strides = array<i32>} : memref<256x128xf32, #tpu.memory_space<vmem>>, vector<256x128xf32>,
    %get3A_20 = arith.constant 0 : index
    %get3A_21 = arith.constant 0 : index
    %get3A_22 = vector.load %arg2[%get3A_20, %get3A_21] : memref<16x128xf32, #tpu.memory_space<vmem>>, vector<16x128xf32>
    %dot_general3A = arith.constant dense<0.000000e+00> : vector<256x16xf32>
    %dot_general3A_23 = tpu.matmul %mul3A_17, %get3A_22, %dot_general3A {dimension_numbers = #tpu.dot_dimension_numbers<[1], [1], [0], [0], [0, 0, 1, 0], [], []>, transpose_lhs_hint = false} : vector<256x128xf32>, vector<16x128xf32>, vector<256x16xf32> -> vector<256x16xf32>
    %swap3A_24 = arith.constant 0 : index
    %swap3A_25 = arith.constant 0 : index
    %swap3A_26 = vector.load %arg3[%swap3A_24, %swap3A_25] : memref<256x16xf32, #tpu.memory_space<vmem>>, vector<256x16xf32>
    tpu.vector_store %arg3[%swap3A_24, %swap3A_25], %dot_general3A_23 {strides = array<i32>} : memref<256x16xf32, #tpu.memory_space<vmem>>, vector<256x16xf32>,
    return
  }
}

module attributes {stable_mosaic.version = 14 : i64} {
  func.func @_tc_partial(%arg0: i32, %arg1: memref<1x1x2560xi32, #tpu.memory_space<vmem>>, %arg2: memref<1x1x2560xi32, #tpu.memory_space<vmem>>, %arg3: memref<1x1x2560xi32, #tpu.memory_space<vmem>>, %arg4: memref<1x1x2560xi32, #tpu.memory_space<vmem>>, %arg5: memref<1x1x2560xi32, #tpu.memory_space<vmem>>, %arg6: memref<2560x128xf32, #tpu.memory_space<vmem>>, %arg7: memref<2560x128xf32, #tpu.memory_space<vmem>>, %arg8: memref<2560x128xf32, #tpu.memory_space<vmem>>, %arg9: memref<2560x128xf32, #tpu.memory_space<vmem>>, %arg10: memref<2560x128xf32, #tpu.memory_space<vmem>>, %arg11: memref<256x128xf32, #tpu.memory_space<vmem>>) attributes {dimension_semantics = [#tpu.dimension_semantics<arbitrary>], iteration_bounds = array<i64: 20>, scalar_prefetch = 0 : i64, scratch_operands = 0 : i64, tpu.core_type = #tpu.core_type<tc>, window_params = [{transform_indices = @transform_0, window_bounds = array<i64: 1, 1, 2560>}, {transform_indices = @transform_1, window_bounds = array<i64: 1, 1, 2560>}, {transform_indices = @transform_2, window_bounds = array<i64: 1, 1, 2560>}, {transform_indices = @transform_3, window_bounds = array<i64: 1, 1, 2560>}, {transform_indices = @transform_4, window_bounds = array<i64: 1, 1, 2560>}, {transform_indices = @transform_5, window_bounds = array<i64: 2560, 128>}, {transform_indices = @transform_6, window_bounds = array<i64: 2560, 128>}, {transform_indices = @transform_7, window_bounds = array<i64: 2560, 128>}, {transform_indices = @transform_8, window_bounds = array<i64: 2560, 128>}, {transform_indices = @transform_9, window_bounds = array<i64: 2560, 128>}, {pipeline_mode = #tpu.pipeline_mode<synchronous>, transform_indices = @transform_10, window_bounds = array<i64: 256, 128>}]} {
    %get3A = arith.constant 0 : index
    %get3A_0 = arith.constant 0 : index
    %get3A_1 = arith.constant 0 : index
    %get3A_2 = vector.load %arg1[%get3A, %get3A_0, %get3A_1] : memref<1x1x2560xi32, #tpu.memory_space<vmem>>, vector<1x1x2560xi32>
    %get3A_3 = vector.shape_cast %get3A_2 : vector<1x1x2560xi32> to vector<2560xi32>
    %iota3A = tpu.iota {dimensions = array<i32: 0>} : vector<256x2560xi32>
    %broadcast_in_dim3A = vector.shape_cast %get3A_3 : vector<2560xi32> to vector<1x2560xi32>
    %eq3A = vector.broadcast %broadcast_in_dim3A : vector<1x2560xi32> to vector<256x2560xi32>
    %eq3A_4 = arith.cmpi eq, %iota3A, %eq3A : vector<256x2560xi32>
    %convert_element_type3A = arith.extui %eq3A_4 : vector<256x2560xi1> to vector<256x2560xi32>
    %convert_element_type3A_5 = arith.sitofp %convert_element_type3A : vector<256x2560xi32> to vector<256x2560xf32>
    %convert_element_type3A_6 = arith.truncf %convert_element_type3A_5 : vector<256x2560xf32> to vector<256x2560xbf16>
    %get3A_7 = arith.constant 0 : index
    %get3A_8 = arith.constant 0 : index
    %get3A_9 = vector.load %arg6[%get3A_7, %get3A_8] : memref<2560x128xf32, #tpu.memory_space<vmem>>, vector<2560x128xf32>
    %convert_element_type3A_10 = arith.truncf %get3A_9 : vector<2560x128xf32> to vector<2560x128xbf16>
    %dot_general3A = arith.constant dense<0.000000e+00> : vector<256x128xf32>
    %dot_general3A_11 = tpu.matmul %convert_element_type3A_6, %convert_element_type3A_10, %dot_general3A {dimension_numbers = #tpu.dot_dimension_numbers<[1], [0], [0], [1], [0, 0, 1, 1], [], []>, transpose_lhs_hint = false} : vector<256x2560xbf16>, vector<2560x128xbf16>, vector<256x128xf32> -> vector<256x128xf32>
    %get3A_12 = arith.constant 0 : index
    %get3A_13 = arith.constant 0 : index
    %get3A_14 = arith.constant 0 : index
    %get3A_15 = vector.load %arg2[%get3A_12, %get3A_13, %get3A_14] : memref<1x1x2560xi32, #tpu.memory_space<vmem>>, vector<1x1x2560xi32>
    %get3A_16 = vector.shape_cast %get3A_15 : vector<1x1x2560xi32> to vector<2560xi32>
    %iota3A_17 = tpu.iota {dimensions = array<i32: 0>} : vector<256x2560xi32>
    %broadcast_in_dim3A_18 = vector.shape_cast %get3A_16 : vector<2560xi32> to vector<1x2560xi32>
    %eq3A_19 = vector.broadcast %broadcast_in_dim3A_18 : vector<1x2560xi32> to vector<256x2560xi32>
    %eq3A_20 = arith.cmpi eq, %iota3A_17, %eq3A_19 : vector<256x2560xi32>
    %convert_element_type3A_21 = arith.extui %eq3A_20 : vector<256x2560xi1> to vector<256x2560xi32>
    %convert_element_type3A_22 = arith.sitofp %convert_element_type3A_21 : vector<256x2560xi32> to vector<256x2560xf32>
    %convert_element_type3A_23 = arith.truncf %convert_element_type3A_22 : vector<256x2560xf32> to vector<256x2560xbf16>
    %get3A_24 = arith.constant 0 : index
    %get3A_25 = arith.constant 0 : index
    %get3A_26 = vector.load %arg7[%get3A_24, %get3A_25] : memref<2560x128xf32, #tpu.memory_space<vmem>>, vector<2560x128xf32>
    %convert_element_type3A_27 = arith.truncf %get3A_26 : vector<2560x128xf32> to vector<2560x128xbf16>
    %dot_general3A_28 = arith.constant dense<0.000000e+00> : vector<256x128xf32>
    %dot_general3A_29 = tpu.matmul %convert_element_type3A_23, %convert_element_type3A_27, %dot_general3A_28 {dimension_numbers = #tpu.dot_dimension_numbers<[1], [0], [0], [1], [0, 0, 1, 1], [], []>, transpose_lhs_hint = false} : vector<256x2560xbf16>, vector<2560x128xbf16>, vector<256x128xf32> -> vector<256x128xf32>
    %add3A = arith.addf %dot_general3A_11, %dot_general3A_29 : vector<256x128xf32>
    %get3A_30 = arith.constant 0 : index
    %get3A_31 = arith.constant 0 : index
    %get3A_32 = arith.constant 0 : index
    %get3A_33 = vector.load %arg3[%get3A_30, %get3A_31, %get3A_32] : memref<1x1x2560xi32, #tpu.memory_space<vmem>>, vector<1x1x2560xi32>
    %get3A_34 = vector.shape_cast %get3A_33 : vector<1x1x2560xi32> to vector<2560xi32>
    %iota3A_35 = tpu.iota {dimensions = array<i32: 0>} : vector<256x2560xi32>
    %broadcast_in_dim3A_36 = vector.shape_cast %get3A_34 : vector<2560xi32> to vector<1x2560xi32>
    %eq3A_37 = vector.broadcast %broadcast_in_dim3A_36 : vector<1x2560xi32> to vector<256x2560xi32>
    %eq3A_38 = arith.cmpi eq, %iota3A_35, %eq3A_37 : vector<256x2560xi32>
    %convert_element_type3A_39 = arith.extui %eq3A_38 : vector<256x2560xi1> to vector<256x2560xi32>
    %convert_element_type3A_40 = arith.sitofp %convert_element_type3A_39 : vector<256x2560xi32> to vector<256x2560xf32>
    %convert_element_type3A_41 = arith.truncf %convert_element_type3A_40 : vector<256x2560xf32> to vector<256x2560xbf16>
    %get3A_42 = arith.constant 0 : index
    %get3A_43 = arith.constant 0 : index
    %get3A_44 = vector.load %arg8[%get3A_42, %get3A_43] : memref<2560x128xf32, #tpu.memory_space<vmem>>, vector<2560x128xf32>
    %convert_element_type3A_45 = arith.truncf %get3A_44 : vector<2560x128xf32> to vector<2560x128xbf16>
    %dot_general3A_46 = arith.constant dense<0.000000e+00> : vector<256x128xf32>
    %dot_general3A_47 = tpu.matmul %convert_element_type3A_41, %convert_element_type3A_45, %dot_general3A_46 {dimension_numbers = #tpu.dot_dimension_numbers<[1], [0], [0], [1], [0, 0, 1, 1], [], []>, transpose_lhs_hint = false} : vector<256x2560xbf16>, vector<2560x128xbf16>, vector<256x128xf32> -> vector<256x128xf32>
    %add3A_48 = arith.addf %add3A, %dot_general3A_47 : vector<256x128xf32>
    %get3A_49 = arith.constant 0 : index
    %get3A_50 = arith.constant 0 : index
    %get3A_51 = arith.constant 0 : index
    %get3A_52 = vector.load %arg4[%get3A_49, %get3A_50, %get3A_51] : memref<1x1x2560xi32, #tpu.memory_space<vmem>>, vector<1x1x2560xi32>
    %get3A_53 = vector.shape_cast %get3A_52 : vector<1x1x2560xi32> to vector<2560xi32>
    %iota3A_54 = tpu.iota {dimensions = array<i32: 0>} : vector<256x2560xi32>
    %broadcast_in_dim3A_55 = vector.shape_cast %get3A_53 : vector<2560xi32> to vector<1x2560xi32>
    %eq3A_56 = vector.broadcast %broadcast_in_dim3A_55 : vector<1x2560xi32> to vector<256x2560xi32>
    %eq3A_57 = arith.cmpi eq, %iota3A_54, %eq3A_56 : vector<256x2560xi32>
    %convert_element_type3A_58 = arith.extui %eq3A_57 : vector<256x2560xi1> to vector<256x2560xi32>
    %convert_element_type3A_59 = arith.sitofp %convert_element_type3A_58 : vector<256x2560xi32> to vector<256x2560xf32>
    %convert_element_type3A_60 = arith.truncf %convert_element_type3A_59 : vector<256x2560xf32> to vector<256x2560xbf16>
    %get3A_61 = arith.constant 0 : index
    %get3A_62 = arith.constant 0 : index
    %get3A_63 = vector.load %arg9[%get3A_61, %get3A_62] : memref<2560x128xf32, #tpu.memory_space<vmem>>, vector<2560x128xf32>
    %convert_element_type3A_64 = arith.truncf %get3A_63 : vector<2560x128xf32> to vector<2560x128xbf16>
    %dot_general3A_65 = arith.constant dense<0.000000e+00> : vector<256x128xf32>
    %dot_general3A_66 = tpu.matmul %convert_element_type3A_60, %convert_element_type3A_64, %dot_general3A_65 {dimension_numbers = #tpu.dot_dimension_numbers<[1], [0], [0], [1], [0, 0, 1, 1], [], []>, transpose_lhs_hint = false} : vector<256x2560xbf16>, vector<2560x128xbf16>, vector<256x128xf32> -> vector<256x128xf32>
    %add3A_67 = arith.addf %add3A_48, %dot_general3A_66 : vector<256x128xf32>
    %get3A_68 = arith.constant 0 : index
    %get3A_69 = arith.constant 0 : index
    %get3A_70 = arith.constant 0 : index
    %get3A_71 = vector.load %arg5[%get3A_68, %get3A_69, %get3A_70] : memref<1x1x2560xi32, #tpu.memory_space<vmem>>, vector<1x1x2560xi32>
    %get3A_72 = vector.shape_cast %get3A_71 : vector<1x1x2560xi32> to vector<2560xi32>
    %iota3A_73 = tpu.iota {dimensions = array<i32: 0>} : vector<256x2560xi32>
    %broadcast_in_dim3A_74 = vector.shape_cast %get3A_72 : vector<2560xi32> to vector<1x2560xi32>
    %eq3A_75 = vector.broadcast %broadcast_in_dim3A_74 : vector<1x2560xi32> to vector<256x2560xi32>
    %eq3A_76 = arith.cmpi eq, %iota3A_73, %eq3A_75 : vector<256x2560xi32>
    %convert_element_type3A_77 = arith.extui %eq3A_76 : vector<256x2560xi1> to vector<256x2560xi32>
    %convert_element_type3A_78 = arith.sitofp %convert_element_type3A_77 : vector<256x2560xi32> to vector<256x2560xf32>
    %convert_element_type3A_79 = arith.truncf %convert_element_type3A_78 : vector<256x2560xf32> to vector<256x2560xbf16>
    %get3A_80 = arith.constant 0 : index
    %get3A_81 = arith.constant 0 : index
    %get3A_82 = vector.load %arg10[%get3A_80, %get3A_81] : memref<2560x128xf32, #tpu.memory_space<vmem>>, vector<2560x128xf32>
    %convert_element_type3A_83 = arith.truncf %get3A_82 : vector<2560x128xf32> to vector<2560x128xbf16>
    %dot_general3A_84 = arith.constant dense<0.000000e+00> : vector<256x128xf32>
    %dot_general3A_85 = tpu.matmul %convert_element_type3A_79, %convert_element_type3A_83, %dot_general3A_84 {dimension_numbers = #tpu.dot_dimension_numbers<[1], [0], [0], [1], [0, 0, 1, 1], [], []>, transpose_lhs_hint = false} : vector<256x2560xbf16>, vector<2560x128xbf16>, vector<256x128xf32> -> vector<256x128xf32>
    %add3A_86 = arith.addf %add3A_67, %dot_general3A_85 : vector<256x128xf32>
    %eq3A_87 = arith.constant 0 : i32
    %eq3A_88 = arith.cmpi eq, %arg0, %eq3A_87 : i32
    %convert_element_type3A_89 = arith.extui %eq3A_88 : i1 to i32
    %cond3A = arith.constant 0 : i32
    %cond3A_90 = arith.cmpi ne, %convert_element_type3A_89, %cond3A : i32
    scf.if %cond3A_90 {
      %swap3A = arith.constant 0 : index
      %swap3A_95 = arith.constant 0 : index
      %swap3A_96 = vector.load %arg11[%swap3A, %swap3A_95] : memref<256x128xf32, #tpu.memory_space<vmem>>, vector<256x128xf32>
      tpu.vector_store %arg11[%swap3A, %swap3A_95], %add3A_86 {strides = array<i32>} : memref<256x128xf32, #tpu.memory_space<vmem>>, vector<256x128xf32>,
    } else {
    }
    %gt3A = arith.constant 0 : i32
    %gt3A_91 = arith.cmpi sgt, %arg0, %gt3A : i32
    %convert_element_type3A_92 = arith.extui %gt3A_91 : i1 to i32
    %cond3A_93 = arith.constant 0 : i32
    %cond3A_94 = arith.cmpi ne, %convert_element_type3A_92, %cond3A_93 : i32
    scf.if %cond3A_94 {
      %get3A_95 = arith.constant 0 : index
      %get3A_96 = arith.constant 0 : index
      %get3A_97 = vector.load %arg11[%get3A_95, %get3A_96] : memref<256x128xf32, #tpu.memory_space<vmem>>, vector<256x128xf32>
      %add3A_98 = arith.addf %get3A_97, %add3A_86 : vector<256x128xf32>
      %swap3A = arith.constant 0 : index
      %swap3A_99 = arith.constant 0 : index
      %swap3A_100 = vector.load %arg11[%swap3A, %swap3A_99] : memref<256x128xf32, #tpu.memory_space<vmem>>, vector<256x128xf32>
      tpu.vector_store %arg11[%swap3A, %swap3A_99], %add3A_98 {strides = array<i32>} : memref<256x128xf32, #tpu.memory_space<vmem>>, vector<256x128xf32>,
    } else {
    }
    return
  }
  func.func @transform_0(%arg0: i32) -> (i32, i32, i32) {
    %add3A = arith.constant 25 : i32
    %add3A_0 = arith.addi %arg0, %add3A : i32
    %add3A_1 = arith.constant 0 : i32
    %add3A_2 = arith.addi %add3A_0, %add3A_1 : i32
    %c0_i32 = arith.constant 0 : i32
    %c0_i32_3 = arith.constant 0 : i32
    %c0_i32_4 = arith.constant 0 : i32
    return %add3A_2, %c0_i32, %c0_i32_3 : i32, i32, i32
  }
  func.func @transform_1(%arg0: i32) -> (i32, i32, i32) {
    %add3A = arith.constant 25 : i32
    %add3A_0 = arith.addi %arg0, %add3A : i32
    %add3A_1 = arith.constant 20 : i32
    %add3A_2 = arith.addi %add3A_0, %add3A_1 : i32
    %c0_i32 = arith.constant 0 : i32
    %c0_i32_3 = arith.constant 0 : i32
    %c0_i32_4 = arith.constant 0 : i32
    return %add3A_2, %c0_i32, %c0_i32_3 : i32, i32, i32
  }
  func.func @transform_2(%arg0: i32) -> (i32, i32, i32) {
    %add3A = arith.constant 25 : i32
    %add3A_0 = arith.addi %arg0, %add3A : i32
    %add3A_1 = arith.constant 40 : i32
    %add3A_2 = arith.addi %add3A_0, %add3A_1 : i32
    %c0_i32 = arith.constant 0 : i32
    %c0_i32_3 = arith.constant 0 : i32
    %c0_i32_4 = arith.constant 0 : i32
    return %add3A_2, %c0_i32, %c0_i32_3 : i32, i32, i32
  }
  func.func @transform_3(%arg0: i32) -> (i32, i32, i32) {
    %add3A = arith.constant 25 : i32
    %add3A_0 = arith.addi %arg0, %add3A : i32
    %add3A_1 = arith.constant 60 : i32
    %add3A_2 = arith.addi %add3A_0, %add3A_1 : i32
    %c0_i32 = arith.constant 0 : i32
    %c0_i32_3 = arith.constant 0 : i32
    %c0_i32_4 = arith.constant 0 : i32
    return %add3A_2, %c0_i32, %c0_i32_3 : i32, i32, i32
  }
  func.func @transform_4(%arg0: i32) -> (i32, i32, i32) {
    %add3A = arith.constant 25 : i32
    %add3A_0 = arith.addi %arg0, %add3A : i32
    %add3A_1 = arith.constant 80 : i32
    %add3A_2 = arith.addi %add3A_0, %add3A_1 : i32
    %c0_i32 = arith.constant 0 : i32
    %c0_i32_3 = arith.constant 0 : i32
    %c0_i32_4 = arith.constant 0 : i32
    return %add3A_2, %c0_i32, %c0_i32_3 : i32, i32, i32
  }
  func.func @transform_5(%arg0: i32) -> (i32, i32) {
    %add3A = arith.constant 25 : i32
    %add3A_0 = arith.addi %arg0, %add3A : i32
    %add3A_1 = arith.constant 0 : i32
    %add3A_2 = arith.addi %add3A_0, %add3A_1 : i32
    %c0_i32 = arith.constant 0 : i32
    %c0_i32_3 = arith.constant 0 : i32
    return %add3A_2, %c0_i32 : i32, i32
  }
  func.func @transform_6(%arg0: i32) -> (i32, i32) {
    %add3A = arith.constant 25 : i32
    %add3A_0 = arith.addi %arg0, %add3A : i32
    %add3A_1 = arith.constant 20 : i32
    %add3A_2 = arith.addi %add3A_0, %add3A_1 : i32
    %c0_i32 = arith.constant 0 : i32
    %c0_i32_3 = arith.constant 0 : i32
    return %add3A_2, %c0_i32 : i32, i32
  }
  func.func @transform_7(%arg0: i32) -> (i32, i32) {
    %add3A = arith.constant 25 : i32
    %add3A_0 = arith.addi %arg0, %add3A : i32
    %add3A_1 = arith.constant 40 : i32
    %add3A_2 = arith.addi %add3A_0, %add3A_1 : i32
    %c0_i32 = arith.constant 0 : i32
    %c0_i32_3 = arith.constant 0 : i32
    return %add3A_2, %c0_i32 : i32, i32
  }
  func.func @transform_8(%arg0: i32) -> (i32, i32) {
    %add3A = arith.constant 25 : i32
    %add3A_0 = arith.addi %arg0, %add3A : i32
    %add3A_1 = arith.constant 60 : i32
    %add3A_2 = arith.addi %add3A_0, %add3A_1 : i32
    %c0_i32 = arith.constant 0 : i32
    %c0_i32_3 = arith.constant 0 : i32
    return %add3A_2, %c0_i32 : i32, i32
  }
  func.func @transform_9(%arg0: i32) -> (i32, i32) {
    %add3A = arith.constant 25 : i32
    %add3A_0 = arith.addi %arg0, %add3A : i32
    %add3A_1 = arith.constant 80 : i32
    %add3A_2 = arith.addi %add3A_0, %add3A_1 : i32
    %c0_i32 = arith.constant 0 : i32
    %c0_i32_3 = arith.constant 0 : i32
    return %add3A_2, %c0_i32 : i32, i32
  }
  func.func @transform_10(%arg0: i32) -> (i32, i32) {
    %c0_i32 = arith.constant 0 : i32
    %c0_i32_0 = arith.constant 0 : i32
    %c0_i32_1 = arith.constant 0 : i32
    return %c0_i32, %c0_i32_0 : i32, i32
  }
}

</mosaic_0001>

<sc_bundles>
// kernel: kernel.5.cloned.1.call-start
scs
__scs_entry_jumppad:
0x0: {  	(pc) =	sbr.rel $0x88, $3  }
0x1: {  	(tag) =	ssettag $0x0;
	lr =	simm.s32 $0x1  }
0x2: {  	[smem:$0x3F9E] =	sst lr;
	_ =	strace $0xD0000000  }
0x3: {  	_ = 	snop  }
0x4: {  	_ = 	snop  }
0x5: {  	_ = 	snop  }
0x6: {  	_ = 	snop  }
0x7: {  	_ = 	snop  }
__scs_overlays_trampoline_lowered:
0x8: {  	[smem:$0x3FAD] =	sst s0  }
0x9: {  	[smem:$0x3FAE] =	sst s1  }
0xa: {  	[smem:$0x3FAF] =	sst s2  }
0xb: {  	[smem:$0x3FB0] =	sst s3  }
0xc: {  	[smem:$0x3FB1] =	sst s4  }
0xd: {  	[smem:$0x3FB2] =	sst s5  }
0xe: {  	[smem:$0x3FB3] =	sst s6  }
0xf: {  	[smem:$0x3FB4] =	sst s7  }
0x10: {  	[smem:$0x3FB5] =	sst s8  }
0x11: {  	[smem:$0x3FB6] =	sst s9;
	s0 =	simm.s32 @!p0 $0x0  }
0x12: {  	s1 =	sld [smem:$0x3F9C];
	s0 =	simm.s32 @p0 $0x1  }
0x13: {  	[smem:$0x3FB7] =	sst s0;
	s0 =	simm.s32 @!p1 $0x0  }
0x14: {  	s2 =	sld [smem:$0x3F9B];
	s0 =	simm.s32 @p1 $0x1  }
0x15: {  	[smem:$0x3FB8] =	sst s0;
	s0 =	simm.s32 @!p2 $0x0  }
0x16: {  	s3 =	sld [smem:$0x3FDB];
	s0 =	simm.s32 @p2 $0x1  }
0x17: {  	s4 =	simm.s32 $0x1BF5;
	[smem:$0x3FBA] =	sst s0  }
0x18: {  	s0 =	sld [smem:$0x3F9D];
	_ =	swait.ge [sflag:s4], $0x0  }
0x19: {  	s7 =	sld [smem:$0x3F9E]  }
0x1a: {  	s8 =	sadd.s32 $0xFFFFE003, lr  }
0x1b: {  	s9 =	sadd.s32 $0xFFFFFEF7, lr;
	s5 =	simm.s32 $0xFFFFFFFF;
	p2 =	slt.u32 s8, $0xFFFFF086  }
0x1c: {  	p1 =	slt.u32 s9, $0xF7A;
	s5 =	simm.s32 @!p2 $0x0  }
0x1d: {  	s5 =	simm.s32 @p1 $0x1;
	p0 =	seq.s32 s7, s2  }
0x1e: {  	s7 =	smul.u32 @!p0 $0xF7A, s2;
	p2 =	seq.s32 @!p0 s5, $0x0  }
0x1f: {  	s9 =	smul.u32 $0xF7A, s1;
	s8 =	simm.s32 @!p0 $0x1BF5;
	p2 =	por !p2, p0  }
0x20: {  	[sflag:s8] =	ssyncset.s32 @!p0 $0xFFFFF086;
	s6 =	sadd.s32 @!p0 s3, s7;
	s7 =	simm.s32 @!p0 $0x108  }
0x21: {  	s3 =	sadd.s32 s3, s9;
	s6 =	sadd.s32 @!p0 $0x88, s6;
	s7 =	simm.s32 @p2 $0x1082  }
0x22: {  	[simem:s7], [sflag:s8] =	dma.local @!p0 [hbm:s6], $0xF7A  }
0x23: {  	s9 =	sor.u32 $0xD0000000, s2;
	s6 =	simm.s32 $0x108;
	_ =	swait.ge @!p0 [sflag:s8], $0x0  }
0x24: {  	s3 =	sadd.s32 $0x88, s3;
	s6 =	simm.s32 @!p1 $0x1082;
	[sflag:s4] =	ssyncset.s32 $0xFFFFF086  }
0x25: {  	[simem:s6], [sflag:s4] =	dma.local [hbm:s3], $0xF7A  }
0x26: {  	[smem:$0x3F9E] =	sst s1;
	(tag) =	ssettag s2;
	_ =	strace s9  }
0x27: {  	s1 =	sld [smem:$0x3FAE]  }
0x28: {  	s2 =	sld [smem:$0x3FAF]  }
0x29: {  	s4 =	sld [smem:$0x3FB1]  }
0x2a: {  	p0 =	seq.s32 s5, $0x0;
	s5 =	sld [smem:$0x3FB2]  }
0x2b: {  	s6 =	sld [smem:$0x3FB3]  }
0x2c: {  	s7 =	sld [smem:$0x3FB4]  }
0x2d: {  	s3 =	simm.s32 $0x108;
	s8 =	sld [smem:$0x3FB5]  }
0x2e: {  	s3 =	simm.s32 @!p0 $0x1082;
	s9 =	sld [smem:$0x3FB6]  }
0x2f: {  	lr =	sadd.s32 s0, s3;
	s0 =	sld [smem:$0x3FAD]  }
0x30: {  	s3 =	sld [smem:$0x3FB0]  }
0x31: {  	[smem:$0x3FB9] =	sst s10  }
0x32: {  	s10 =	sld [smem:$0x3FB7];
	_ =	sdelay $0x3  }
0x33: {  	p0 =	seq.s32 s10, $0x1;
	s10 =	sld [smem:$0x3FB9];
	_ =	sdelay $0x3  }
0x34: {  	[smem:$0x3FB9] =	sst s10  }
0x35: {  	s10 =	sld [smem:$0x3FB8];
	_ =	sdelay $0x3  }
0x36: {  	p1 =	seq.s32 s10, $0x1;
	s10 =	sld [smem:$0x3FB9];
	_ =	sdelay $0x3  }
0x37: {  	[smem:$0x3FB9] =	sst s10  }
0x38: {  	s10 =	sld [smem:$0x3FBA]  }
0x39: {  	_ = 	snop;
	(pc) =	sbr.ind lr, $3  }
0x3a: {  	_ = 	snop  }
0x3b: {  	_ = 	snop  }
0x3c: {  	p2 =	seq.s32 s10, $0x1;
	s10 =	sld [smem:$0x3FB9]  }
0x3d: {  	_ =	shalt  }
0x3e: {  	_ =	shalt  }
0x3f: {  	_ =	shalt  }
0x40: {  	_ =	shalt  }
0x41: {  	_ =	shalt  }
0x42: {  	_ =	shalt  }
0x43: {  	_ =	shalt  }
0x44: {  	_ =	shalt  }
0x45: {  	_ =	shalt  }
0x46: {  	_ =	shalt  }
0x47: {  	_ =	shalt  }
0x48: {  	_ =	shalt  }
0x49: {  	_ =	shalt  }
0x4a: {  	_ =	shalt  }
0x4b: {  	_ =	shalt  }
0x4c: {  	_ =	shalt  }
0x4d: {  	_ =	shalt  }
0x4e: {  	_ =	shalt  }
0x4f: {  	_ =	shalt  }
0x50: {  	_ =	shalt  }
0x51: {  	_ =	shalt  }
0x52: {  	_ =	shalt  }
0x53: {  	_ =	shalt  }
0x54: {  	_ =	shalt  }
0x55: {  	_ =	shalt  }
0x56: {  	_ =	shalt  }
0x57: {  	_ =	shalt  }
0x58: {  	_ =	shalt  }
0x59: {  	_ =	shalt  }
0x5a: {  	_ =	shalt  }
0x5b: {  	_ =	shalt  }
0x5c: {  	_ =	shalt  }
0x5d: {  	_ =	shalt  }
0x5e: {  	_ =	shalt  }
0x5f: {  	_ =	shalt  }
0x60: {  	_ =	shalt  }
0x61: {  	_ =	shalt  }
0x62: {  	_ =	shalt  }
0x63: {  	_ =	shalt  }
0x64: {  	_ =	shalt  }
0x65: {  	_ =	shalt  }
0x66: {  	_ =	shalt  }
0x67: {  	_ =	shalt  }
0x68: {  	_ =	shalt  }
0x69: {  	_ =	shalt  }
0x6a: {  	_ =	shalt  }
0x6b: {  	_ =	shalt  }
0x6c: {  	_ =	shalt  }
0x6d: {  	_ =	shalt  }
0x6e: {  	_ =	shalt  }
0x6f: {  	_ =	shalt  }
0x70: {  	_ =	shalt  }
0x71: {  	_ =	shalt  }
0x72: {  	_ =	shalt  }
0x73: {  	_ =	shalt  }
0x74: {  	_ =	shalt  }
0x75: {  	_ =	shalt  }
0x76: {  	_ =	shalt  }
0x77: {  	_ =	shalt  }
0x78: {  	_ =	shalt  }
0x79: {  	_ =	shalt  }
0x7a: {  	_ =	shalt  }
0x7b: {  	_ =	shalt  }
0x7c: {  	_ =	shalt  }
0x7d: {  	_ =	shalt  }
0x7e: {  	_ =	shalt  }
0x7f: {  	_ =	shalt  }
0x80: {  	_ =	shalt  }
0x81: {  	_ =	shalt  }
0x82: {  	_ =	shalt  }
0x83: {  	_ =	shalt  }
0x84: {  	_ =	shalt  }
0x85: {  	_ =	shalt  }
0x86: {  	_ =	shalt  }
0x87: {  	_ =	shalt  }
.Lfunc_end0:
.L_simem_size_0:
called_computation_lowered:
.L_overlay_start_0:
0x88: {  	s2 =	sld [smem:$0x3FD9]  }
0x89: {  	s3 =	sld [smem:$0x3FFE];
	_ =	sdelay $0x1  }
0x8a: {  	s1 =	srdreg.scid  }
0x8b: {  	s0 =	sand.u32 $0x1, s1  }
0x8c: {  	s17 =	sshll.u32 s0, $0xA;
	s2 =	sadd.s32 s3, s2  }
0x8d: {  	s2 =	sadd.s32 s2, s17  }
0x8e: {  	[smem:$0x3FC5] =	sst s2  }
0x8f: {  	_ = 	snop  }
0x90: {  	s2 =	sld [smem:$0x3FC9]  }
0x91: {  	s18 =	sld [smem:$0x3FC8];
	(tm) =	ssettm $0x1  }
0x92: {  	s4 =	sld [smem:$0x3FFB];
	_ =	sdelay $0x3  }
0x93: {  	_ =	strace s4  }
0x94: {  	s4 =	sld [smem:$0x3FFC];
	_ =	sdelay $0x3  }
0x95: {  	_ =	strace s4  }
0x96: {  	s4 =	sld [smem:$0x3FFD];
	_ =	sdelay $0x3  }
0x97: {  	_ =	strace s4  }
0x98: {  	_ =	strace $0x8FFFFFFF  }
0x99: {  	s19 =	sld [smem:$0x3FDB];
	_ =	sdelay $0x1  }
0x9a: {  	s5 =	simm.s32 $_scs_section_size  }
0x9b: {  	s6 =	simm.s32 $_size__tile_overlayer_lowered;
	s7 =	simm.s32 $_tile_overlayer_lowered  }
0x9c: {  	s22 =	simm.s32 $0x1BFF;
	s21 =	sshll.u32 s7, $0x1;
	s4 =	sadd.s32 s5, s19  }
0x9d: {  	s8 =	simm.s32 $0x0;
	s20 =	sshll.u32 s6, $0x1;
	s6 =	sadd.s32 s21, s4  }
0x9e: {  	[timem:s8], [sflag:s22] =	dma.local [hbm:s6], s20  }
0x9f: {  	_ =	swait.ge [sflag:s22], s20  }
0xa0: {  	s5 =	ssub.s32 $0x0, s20;
	[sflag:s22] =	ssyncset.done $0x0  }
0xa1: {  	[sflag:s22] =	ssyncadd.s32 s5;
	_ =	sdelay $0x1  }
0xa2: {  	s23 =	simm.s32 $0x1B8B  }
0xa3: {  	_ =	swait.ge [sflag:s23], $0x1  }
0xa4: {  	[sflag:s23] =	ssyncset.done $0x0  }
0xa5: {  	s25 =	simm.s32 $0x1B8E;
	s24 =	sld [smem:$0x3FFE];
	[sflag:s23] =	ssyncadd.s32 $0xFFFFFFFF  }
0xa6: {  	s26 =	simm.s32 $execute0_lowered;
	[smem:$0x3FD2] =	sst s25  }
0xa7: {  	s6 =	sshll.u32 s26, $0x1;
	_ =	strace $0x80000046;
	[dreg:$0x1] =	wrdreg $0xFFFFFFFF  }
0xa8: {  	s28 =	simm.s32 $_size_execute0_lowered;
	s4 =	sadd.s32 s4, s6;
	[dreg:$0x0] =	wrdreg $0x0  }
0xa9: {  	s6 =	sshll.u32 s28, $0x1;
	[dreg:$0x2] =	wrdreg s4  }
0xaa: {  	[dreg:$0x3] =	wrdreg s6  }
0xab: {  	[dreg:$0x4] =	wrdreg $0xC0  }
0xac: {  	_ =	task [dreg:s8], $0x5FFFF  }
0xad: {  	[dreg:$0x1] =	wrdreg $0xFFFFFFFF  }
0xae: {  	[dreg:$0x0] =	wrdreg $0x60  }
0xaf: {  	[dreg:$0x2] =	wrdreg s2  }
0xb0: {  	[dreg:$0x3] =	wrdreg s18  }
0xb1: {  	[dreg:$0x4] =	wrdreg s24  }
0xb2: {  	[dreg:$0x5] =	wrdreg $0x59000  }
0xb3: {  	[dreg:$0x6] =	wrdreg $0x9  }
0xb4: {  	_ =	task.clear_ibuf [dreg:s8], $0x7FFFF;
	_ =	strace $0x90000046  }
0xb5: {  	s29 =	simm.s32 $0x9;
	_ =	strace $0x80000048  }
0xb6: {  	_ =	swait.ge [sflag:s29], $0x1  }
0xb7: {  	[sflag:s29] =	ssyncadd.s32 $0xFFFFFFFF  }
0xb8: {  	_ =	strace $0x90000048  }
0xb9: {  	_ =	sfence  }
0xba: {  	s30 =	sld [smem:$0x0];
	_ =	sdelay $0x2  }
0xbb: {  	s31 =	sshll.u32 s1, $0xD;
	s1 =	sshrl.u32 s1, $0x2  }
0xbc: {  	s3 =	sand.u32 $0x4000, s31;
	s1 =	sadd.s32 s1, s30  }
0xbd: {  	s0 =	sor.u32 s3, s0;
	s1 =	sshll.u32 s1, $0x11  }
0xbe: {  	s0 =	sor.u32 s1, s0  }
0xbf: {  	s0 =	sadd.s32 $0x8F2B, s0  }
0xc0: {  	[sflag:s0] =	ssyncadd.remote.s32 $0x1  }
0xc1: {  	_ =	sfence.sel $0xFFFF  }
0xc2: {  	[dreg:$0x0] =	wrdreg $0xFFFFFFFF;
	(pc) =	sbr.abs _section_cstart, $3  }
0xc3: {  	[dreg:$0x1] =	wrdreg $0xFFFFFFFF  }
0xc4: {  	_ =	task.clear_ibuf [dreg:s8], $0x2FFFF;
	_ =	strace $0x9FFFFFFF  }
0xc5: {  	(tm) =	ssettm $0x7FFFFFFF  }
tec
execute0_lowered:
.L_overlay_start_1:
0x0: {  	(tag) =	ssettag $0x1  }
0x1: {  	s0 =	rddreg [dreg:$0x0]  }
0x2: {  	s1 =	rddreg [dreg:$0x1]  }
0x3: {  	s5 =	rddreg [dreg:$0x2]  }
0x4: {  	s2 =	rddreg [dreg:$0x3];
	s3 =	srdreg.scid;
	s4 =	simm.s32 $0x0  }
0x5: {  	s19 =	simm.s32 $0x5000;
	s20 =	simm.s32 $0x2800;
	s21 =	simm.s32 $0x5080  }
0x6: {  	s28 =	simm.s32 $0x0;
	s10 =	sand.u32 $0x1, s3;
	[smem:$0x7FF] =	sst s4  }
0x7: {  	s3 =	stileid.u32;
	s6 =	sshll.u32 s10, $0x4;
	s15 =	smul.u32 $0x7D000, s10  }
0x8: {  	_ =	strace $0x80000047;
	s7 =	sshll.u32 s3, $0x8;
	s16 =	smul.u32 $0x7D00, s10  }
0x9: {  	s22 =	ssub.s32 $0x2, s10;
	s8 =	sshll.u32 s3, $0xB;
	s17 =	smul.u32 $0x7D0, s3  }
0xa: {  	s14 =	sshll.u32 s10, $0xC;
	s18 =	smul.u32 $0x7D00, s3;
	s6 =	sor.u32 s3, s6  }
0xb: {  	s11 =	sadd.s32 s7, s5;
	s23 =	sshrl.u32 s22, $0x1;
	s12 =	smul.u32 $0x7D0, s6  }
0xc: {  	s5 =	sadd.s32 s8, s2;
	s6 =	smul.u32 $0x7D00, s6;
	s13 =	ssub.s32 s22, s23  }
0xd: {  	s11 =	sadd.s32 s14, s11;
	s30 =	sadd.s32 s17, s16;
	s22 =	simm.s32 $0x1  }
0xe: {  	s23 =	simm.s32 $0x3;
	s10 =	sadd.s32 $0xC00, s11;
	s11 =	smax.u32 s13, $0x1  }
0xf: {  	s16 =	sadd.s32 $0xF0, s30;
	s9 =	sadd.s32 $0x50, s12;
	s6 =	sadd.s32 s0, s6  }
0x10: {  	s24 =	sshrl.u32 s12, $0x3;
	s26 =	sadd.s32 $0x780, s12;
	s31 =	sshrl.u32 s16, $0x3  }
0x11: {  	s25 =	sshll.u32 s9, $0x4;
	s7 =	sadd.s32 s1, s24;
	s9 =	sshrl.u32 s9, $0x3  }
0x12: {  	s12 =	sshll.u32 s26, $0x4;
	s29 =	sshrl.u32 s26, $0x3;
	s16 =	sadd.s32 s31, s1  }
0x13: {  	s24 =	simm.s32 $0x50;
	s26 =	simm.s32 $0x4;
	s8 =	sadd.s32 s0, s25  }
0x14: {  	s9 =	sadd.s32 s1, s9;
	s12 =	sadd.s32 s0, s12;
	s0 =	sadd.s32 s15, s0  }
0x15: {  	s13 =	sadd.s32 s1, s29;
	s15 =	sadd.s32 $0xA0, s30;
	s0 =	sadd.s32 s18, s0  }
0x16: {  	v0 =	vimm.f32 $0.0e+00;
	s25 =	simm.s32 $0x2;
	s18 =	simm.s32 $0x5;
	s14 =	sadd.s32 $0xA00, s0  }
.LBB2_1:
0x17: {  	[tilespmem:$0x5100] =	vst v0  }
0x18: {  	[tilespmem:$0x5110] =	vst v0  }
0x19: {  	[tilespmem:$0x5120] =	vst v0  }
0x1a: {  	[tilespmem:$0x5130] =	vst v0  }
0x1b: {  	[tilespmem:$0x5140] =	vst v0  }
0x1c: {  	[tilespmem:$0x5150] =	vst v0  }
0x1d: {  	[tilespmem:$0x5160] =	vst v0  }
0x1e: {  	[tilespmem:$0x5170] =	vst v0  }
0x1f: {  	[tilespmem:$0x5180] =	vst v0  }
0x20: {  	[tilespmem:$0x5190] =	vst v0  }
0x21: {  	[tilespmem:$0x51A0] =	vst v0  }
0x22: {  	[tilespmem:$0x51B0] =	vst v0  }
0x23: {  	[tilespmem:$0x51C0] =	vst v0  }
0x24: {  	[tilespmem:$0x51D0] =	vst v0  }
0x25: {  	[tilespmem:$0x51E0] =	vst v0  }
0x26: {  	[tilespmem:$0x51F0] =	vst v0  }
0x27: {  	[tilespmem:$0x5200] =	vst v0  }
0x28: {  	[tilespmem:$0x5210] =	vst v0  }
0x29: {  	[tilespmem:$0x5220] =	vst v0  }
0x2a: {  	[tilespmem:$0x5230] =	vst v0  }
0x2b: {  	[tilespmem:$0x5240] =	vst v0  }
0x2c: {  	[tilespmem:$0x5250] =	vst v0  }
0x2d: {  	[tilespmem:$0x5260] =	vst v0  }
0x2e: {  	[tilespmem:$0x5270] =	vst v0  }
0x2f: {  	[tilespmem:$0x5280] =	vst v0  }
0x30: {  	[tilespmem:$0x5290] =	vst v0  }
0x31: {  	[tilespmem:$0x52A0] =	vst v0  }
0x32: {  	[tilespmem:$0x52B0] =	vst v0  }
0x33: {  	[tilespmem:$0x52C0] =	vst v0  }
0x34: {  	[tilespmem:$0x52D0] =	vst v0  }
0x35: {  	[tilespmem:$0x52E0] =	vst v0  }
0x36: {  	[tilespmem:$0x52F0] =	vst v0  }
0x37: {  	[tilespmem:$0x5300] =	vst v0  }
0x38: {  	[tilespmem:$0x5310] =	vst v0  }
0x39: {  	[tilespmem:$0x5320] =	vst v0  }
0x3a: {  	[tilespmem:$0x5330] =	vst v0  }
0x3b: {  	[tilespmem:$0x5340] =	vst v0  }
0x3c: {  	[tilespmem:$0x5350] =	vst v0  }
0x3d: {  	[tilespmem:$0x5360] =	vst v0  }
0x3e: {  	[tilespmem:$0x5370] =	vst v0  }
0x3f: {  	[tilespmem:$0x5380] =	vst v0  }
0x40: {  	[tilespmem:$0x5390] =	vst v0  }
0x41: {  	[tilespmem:$0x53A0] =	vst v0  }
0x42: {  	[tilespmem:$0x53B0] =	vst v0  }
0x43: {  	[tilespmem:$0x53C0] =	vst v0  }
0x44: {  	[tilespmem:$0x53D0] =	vst v0  }
0x45: {  	[tilespmem:$0x53E0] =	vst v0  }
0x46: {  	[tilespmem:$0x53F0] =	vst v0  }
0x47: {  	[tilespmem:$0x5400] =	vst v0  }
0x48: {  	[tilespmem:$0x5410] =	vst v0  }
0x49: {  	[tilespmem:$0x5420] =	vst v0  }
0x4a: {  	[tilespmem:$0x5430] =	vst v0  }
0x4b: {  	[tilespmem:$0x5440] =	vst v0  }
0x4c: {  	[tilespmem:$0x5450] =	vst v0  }
0x4d: {  	[tilespmem:$0x5460] =	vst v0  }
0x4e: {  	[tilespmem:$0x5470] =	vst v0  }
0x4f: {  	[tilespmem:$0x5480] =	vst v0  }
0x50: {  	[tilespmem:$0x5490] =	vst v0  }
0x51: {  	[tilespmem:$0x54A0] =	vst v0  }
0x52: {  	[tilespmem:$0x54B0] =	vst v0  }
0x53: {  	[tilespmem:$0x54C0] =	vst v0  }
0x54: {  	[tilespmem:$0x54D0] =	vst v0  }
0x55: {  	[tilespmem:$0x54E0] =	vst v0  }
0x56: {  	[tilespmem:$0x54F0] =	vst v0  }
0x57: {  	[tilespmem:$0x5500] =	vst v0  }
0x58: {  	[tilespmem:$0x5510] =	vst v0  }
0x59: {  	[tilespmem:$0x5520] =	vst v0  }
0x5a: {  	[tilespmem:$0x5530] =	vst v0  }
0x5b: {  	[tilespmem:$0x5540] =	vst v0  }
0x5c: {  	[tilespmem:$0x5550] =	vst v0  }
0x5d: {  	[tilespmem:$0x5560] =	vst v0  }
0x5e: {  	[tilespmem:$0x5570] =	vst v0  }
0x5f: {  	[tilespmem:$0x5580] =	vst v0  }
0x60: {  	[tilespmem:$0x5590] =	vst v0  }
0x61: {  	[tilespmem:$0x55A0] =	vst v0  }
0x62: {  	[tilespmem:$0x55B0] =	vst v0  }
0x63: {  	[tilespmem:$0x55C0] =	vst v0  }
0x64: {  	[tilespmem:$0x55D0] =	vst v0  }
0x65: {  	[tilespmem:$0x55E0] =	vst v0  }
0x66: {  	[tilespmem:$0x55F0] =	vst v0  }
0x67: {  	[tilespmem:$0x5600] =	vst v0  }
0x68: {  	[tilespmem:$0x5610] =	vst v0  }
0x69: {  	[tilespmem:$0x5620] =	vst v0  }
0x6a: {  	[tilespmem:$0x5630] =	vst v0  }
0x6b: {  	[tilespmem:$0x5640] =	vst v0  }
0x6c: {  	[tilespmem:$0x5650] =	vst v0  }
0x6d: {  	[tilespmem:$0x5660] =	vst v0  }
0x6e: {  	[tilespmem:$0x5670] =	vst v0  }
0x6f: {  	[tilespmem:$0x5680] =	vst v0  }
0x70: {  	[tilespmem:$0x5690] =	vst v0  }
0x71: {  	[tilespmem:$0x56A0] =	vst v0  }
0x72: {  	[tilespmem:$0x56B0] =	vst v0  }
0x73: {  	[tilespmem:$0x56C0] =	vst v0  }
0x74: {  	[tilespmem:$0x56D0] =	vst v0  }
0x75: {  	[tilespmem:$0x56E0] =	vst v0  }
0x76: {  	[tilespmem:$0x56F0] =	vst v0  }
0x77: {  	[tilespmem:$0x5700] =	vst v0  }
0x78: {  	[tilespmem:$0x5710] =	vst v0  }
0x79: {  	[tilespmem:$0x5720] =	vst v0  }
0x7a: {  	[tilespmem:$0x5730] =	vst v0  }
0x7b: {  	[tilespmem:$0x5740] =	vst v0  }
0x7c: {  	[tilespmem:$0x5750] =	vst v0  }
0x7d: {  	[tilespmem:$0x5760] =	vst v0  }
0x7e: {  	[tilespmem:$0x5770] =	vst v0  }
0x7f: {  	[tilespmem:$0x5780] =	vst v0  }
0x80: {  	[tilespmem:$0x5790] =	vst v0  }
0x81: {  	[tilespmem:$0x57A0] =	vst v0  }
0x82: {  	[tilespmem:$0x57B0] =	vst v0  }
0x83: {  	[tilespmem:$0x57C0] =	vst v0  }
0x84: {  	[tilespmem:$0x57D0] =	vst v0  }
0x85: {  	[tilespmem:$0x57E0] =	vst v0  }
0x86: {  	[tilespmem:$0x57F0] =	vst v0  }
0x87: {  	[tilespmem:$0x5800] =	vst v0  }
0x88: {  	[tilespmem:$0x5810] =	vst v0  }
0x89: {  	[tilespmem:$0x5820] =	vst v0  }
0x8a: {  	[tilespmem:$0x5830] =	vst v0  }
0x8b: {  	[tilespmem:$0x5840] =	vst v0  }
0x8c: {  	[tilespmem:$0x5850] =	vst v0  }
0x8d: {  	[tilespmem:$0x5860] =	vst v0  }
0x8e: {  	[tilespmem:$0x5870] =	vst v0  }
0x8f: {  	[tilespmem:$0x5880] =	vst v0  }
0x90: {  	[tilespmem:$0x5890] =	vst v0  }
0x91: {  	[tilespmem:$0x58A0] =	vst v0  }
0x92: {  	[tilespmem:$0x58B0] =	vst v0  }
0x93: {  	[tilespmem:$0x58C0] =	vst v0  }
0x94: {  	[tilespmem:$0x58D0] =	vst v0  }
0x95: {  	[tilespmem:$0x58E0] =	vst v0  }
0x96: {  	[tilespmem:$0x58F0] =	vst v0;
	s0 =	simm.s32 $0x5100  }
0x97: {  	[spmem:s5] =	stream.linear.scatter [tilespmem:s0], [sflag:$0x5], $0x800, $0x38;
	[tilespmem:$0x6100] =	vst v63  }
0x98: {  	_ =	swait.ge [sflag:s18], $0x800  }
0x99: {  	[sflag:s18] =	ssyncset.done $0x0  }
0x9a: {  	[sflag:s18] =	ssyncadd.s32 $0xFFFFF800  }
0x9b: {  	[bflag:$0x0] =	sbarrier.arrive $0xFFFF  }
0x9c: {  	[tilespmem:s4], [sflag:$0x1] =	stream.linear.gather [hbm4b:s6+s4], $0x2800, $0x38;
	[tilespmem:$0x6100] =	vst v63  }
0x9d: {  	_ = 	snop  }
0x9e: {  	[tilespmem:s19], [sflag:$0x3] =	stream.linear.gather [hbm4b:s7+s4], $0x50, $0x38;
	[tilespmem:$0x6100] =	vst v63  }
0x9f: {  	_ = 	snop  }
0xa0: {  	[tilespmem:s20], [sflag:$0x2] =	stream.linear.gather [hbm4b:s8+s4], $0x2800, $0x38;
	[tilespmem:$0x6100] =	vst v63  }
0xa1: {  	_ = 	snop  }
0xa2: {  	[tilespmem:s21], [sflag:$0x4] =	stream.linear.gather [hbm4b:s9+s4], $0x50, $0x38;
	[tilespmem:$0x6100] =	vst v63  }
0xa3: {  	_ =	swait.ge [sflag:s22], $0x2800  }
0xa4: {  	[sflag:s22] =	ssyncset.done $0x0  }
0xa5: {  	[sflag:s22] =	ssyncadd.s32 $0xFFFFD800  }
0xa6: {  	_ =	swait.ge [sflag:s23], $0x50  }
0xa7: {  	[sflag:s23] =	ssyncset.done $0x0  }
0xa8: {  	[sflag:s23] =	ssyncadd.s32 $0xFFFFFFB0  }
0xa9: {  	[spmem:s2] =	stream.indirect.scatter.add.f32 [tilespmem:s4], [sflag:$0x5], $0x80, s19, s24, $0xb8;
	[tilespmem:$0x6100] =	vst v63  }
0xaa: {  	_ =	swait.ge [sflag:s18], $0x2800  }
0xab: {  	[sflag:s18] =	ssyncset.done $0x0  }
0xac: {  	s17 =	sshrl.u32 s15, $0x3;
	[sflag:s18] =	ssyncadd.s32 $0xFFFFD800  }
0xad: {  	[tilespmem:s4], [sflag:$0x1] =	stream.linear.gather [hbm4b:s14+s4], $0x2800, $0x38;
	[tilespmem:$0x6100] =	vst v63  }
0xae: {  	s0 =	sadd.s32 s1, s17  }
0xaf: {  	[tilespmem:s19], [sflag:$0x3] =	stream.linear.gather [hbm4b:s0+s4], $0x50, $0x38;
	[tilespmem:$0x6100] =	vst v63  }
0xb0: {  	_ =	swait.ge [sflag:s25], $0x2800  }
0xb1: {  	[sflag:s25] =	ssyncset.done $0x0  }
0xb2: {  	[sflag:s25] =	ssyncadd.s32 $0xFFFFD800  }
0xb3: {  	_ =	swait.ge [sflag:s26], $0x50  }
0xb4: {  	[sflag:s26] =	ssyncset.done $0x0  }
0xb5: {  	[sflag:s26] =	ssyncadd.s32 $0xFFFFFFB0  }
0xb6: {  	[spmem:s2] =	stream.indirect.scatter.add.f32 [tilespmem:s20], [sflag:$0x5], $0x80, s21, s24, $0xb8;
	[tilespmem:$0x6100] =	vst v63  }
0xb7: {  	s29 =	simm.s32 $0x14;
	_ =	swait.ge [sflag:s18], $0x2800  }
0xb8: {  	s30 =	sadd.s32 $0xA00, s14;
	s31 =	sadd.s32 $0xA0, s15;
	[sflag:s18] =	ssyncset.done $0x0  }
0xb9: {  	s17 =	sadd.s32 $0x500, s14;
	s0 =	sadd.s32 $0x0, s16;
	[sflag:s18] =	ssyncadd.s32 $0xFFFFD800  }
0xba: {  	[tilespmem:s20], [sflag:$0x2] =	stream.linear.gather [hbm4b:s17+s4], $0x2800, $0x38;
	[tilespmem:$0x6100] =	vst v63  }
.LBB2_2:
0xbb: {  	[tilespmem:s21], [sflag:$0x4] =	stream.linear.gather [hbm4b:s0+s4], $0x50, $0x38;
	[tilespmem:$0x6100] =	vst v63  }
0xbc: {  	s0 =	smov.u32 s29  }
0xbd: {  	p0 =	sne.s32 s29, $0xC8;
	s29 =	sadd.s32 $0x14, s29;
	_ =	swait.ge [sflag:s22], $0x2800  }
0xbe: {  	[sflag:s22] =	ssyncset.done $0x0  }
0xbf: {  	[sflag:s22] =	ssyncadd.s32 $0xFFFFD800  }
0xc0: {  	_ =	swait.ge [sflag:s23], $0x50  }
0xc1: {  	[sflag:s23] =	ssyncset.done $0x0  }
0xc2: {  	[sflag:s23] =	ssyncadd.s32 $0xFFFFFFB0  }
0xc3: {  	[spmem:s2] =	stream.indirect.scatter.add.f32 [tilespmem:s4], [sflag:$0x5], $0x80, s19, s24, $0xb8;
	[tilespmem:$0x6100] =	vst v63  }
0xc4: {  	_ =	swait.ge [sflag:s18], $0x2800  }
0xc5: {  	[sflag:s18] =	ssyncset.done $0x0  }
0xc6: {  	s17 =	sshrl.u32 s31, $0x3;
	[sflag:s18] =	ssyncadd.s32 $0xFFFFD800  }
0xc7: {  	[tilespmem:s4], [sflag:$0x1] =	stream.linear.gather [hbm4b:s30+s4], $0x2800, $0x38;
	[tilespmem:$0x6100] =	vst v63  }
0xc8: {  	s17 =	sadd.s32 s1, s17  }
0xc9: {  	[tilespmem:s19], [sflag:$0x3] =	stream.linear.gather [hbm4b:s17+s4], $0x50, $0x38;
	[tilespmem:$0x6100] =	vst v63  }
0xca: {  	_ =	swait.ge [sflag:s25], $0x2800  }
0xcb: {  	[sflag:s25] =	ssyncset.done $0x0  }
0xcc: {  	[sflag:s25] =	ssyncadd.s32 $0xFFFFD800  }
0xcd: {  	_ =	swait.ge [sflag:s26], $0x50  }
0xce: {  	[sflag:s26] =	ssyncset.done $0x0  }
0xcf: {  	[sflag:s26] =	ssyncadd.s32 $0xFFFFFFB0  }
0xd0: {  	[spmem:s2] =	stream.indirect.scatter.add.f32 [tilespmem:s20], [sflag:$0x5], $0x80, s21, s24, $0xb8;
	[tilespmem:$0x6100] =	vst v63  }
.Ltmp0:
0xd1: {  	_ =	swait.ge [sflag:s18], $0x2800;
	(pc) =	sbr.rel @p0 .LBB2_2-.Ltmp0, $4  }
0xd2: {  	[sflag:s18] =	ssyncset.done $0x0  }
0xd3: {  	s17 =	sadd.s32 $0x500, s30;
	[sflag:s18] =	ssyncadd.s32 $0xFFFFD800  }
0xd4: {  	[tilespmem:s20], [sflag:$0x2] =	stream.linear.gather [hbm4b:s17+s4], $0x2800, $0x38;
	[tilespmem:$0x6100] =	vst v63  }
0xd5: {  	s31 =	sadd.s32 $0xA0, s31;
	s0 =	sadd.s32 s0, s16;
	s30 =	sadd.s32 $0xA00, s30  }
0xd6: {  	[tilespmem:s21], [sflag:$0x4] =	stream.linear.gather [hbm4b:s0+s4], $0x50, $0x38;
	[tilespmem:$0x6100] =	vst v63  }
0xd7: {  	_ =	swait.ge [sflag:s22], $0x2800  }
0xd8: {  	[sflag:s22] =	ssyncset.done $0x0  }
0xd9: {  	[sflag:s22] =	ssyncadd.s32 $0xFFFFD800  }
0xda: {  	_ =	swait.ge [sflag:s23], $0x50  }
0xdb: {  	[sflag:s23] =	ssyncset.done $0x0  }
0xdc: {  	[sflag:s23] =	ssyncadd.s32 $0xFFFFFFB0  }
0xdd: {  	[spmem:s2] =	stream.indirect.scatter.add.f32 [tilespmem:s4], [sflag:$0x5], $0x80, s19, s24, $0xb8;
	[tilespmem:$0x6100] =	vst v63  }
0xde: {  	_ =	swait.ge [sflag:s18], $0x2800  }
0xdf: {  	[sflag:s18] =	ssyncset.done $0x0  }
0xe0: {  	[sflag:s18] =	ssyncadd.s32 $0xFFFFD800  }
0xe1: {  	[tilespmem:s4], [sflag:$0x1] =	stream.linear.gather [hbm4b:s12+s4], $0x2800, $0x38;
	[tilespmem:$0x6100] =	vst v63  }
0xe2: {  	_ = 	snop  }
0xe3: {  	[tilespmem:s19], [sflag:$0x3] =	stream.linear.gather [hbm4b:s13+s4], $0x50, $0x38;
	[tilespmem:$0x6100] =	vst v63  }
0xe4: {  	_ =	swait.ge [sflag:s25], $0x2800  }
0xe5: {  	[sflag:s25] =	ssyncset.done $0x0  }
0xe6: {  	[sflag:s25] =	ssyncadd.s32 $0xFFFFD800  }
0xe7: {  	_ =	swait.ge [sflag:s26], $0x50  }
0xe8: {  	[sflag:s26] =	ssyncset.done $0x0  }
0xe9: {  	[sflag:s26] =	ssyncadd.s32 $0xFFFFFFB0  }
0xea: {  	[spmem:s2] =	stream.indirect.scatter.add.f32 [tilespmem:s20], [sflag:$0x5], $0x80, s21, s24, $0xb8;
	[tilespmem:$0x6100] =	vst v63  }
0xeb: {  	_ =	swait.ge [sflag:s18], $0x2800  }
0xec: {  	[sflag:s18] =	ssyncset.done $0x0  }
0xed: {  	[sflag:s18] =	ssyncadd.s32 $0xFFFFD800  }
0xee: {  	[tilespmem:s20], [sflag:$0x2] =	stream.linear.gather [hbm4b:s12+s4], $0x2800, $0x38;
	[tilespmem:$0x6100] =	vst v63  }
0xef: {  	_ = 	snop  }
0xf0: {  	[tilespmem:s21], [sflag:$0x4] =	stream.linear.gather [hbm4b:s13+s4], $0x50, $0x38;
	[tilespmem:$0x6100] =	vst v63  }
0xf1: {  	_ =	swait.ge [sflag:s22], $0x2800  }
0xf2: {  	[sflag:s22] =	ssyncset.done $0x0  }
0xf3: {  	[sflag:s22] =	ssyncadd.s32 $0xFFFFD800  }
0xf4: {  	_ =	swait.ge [sflag:s23], $0x50  }
0xf5: {  	[sflag:s23] =	ssyncset.done $0x0  }
0xf6: {  	[sflag:s23] =	ssyncadd.s32 $0xFFFFFFB0  }
0xf7: {  	[spmem:s2] =	stream.indirect.scatter.add.f32 [tilespmem:s4], [sflag:$0x5], $0x80, s19, s24, $0xb8;
	[tilespmem:$0x6100] =	vst v63  }
0xf8: {  	_ =	swait.ge [sflag:s18], $0x2800  }
0xf9: {  	[sflag:s18] =	ssyncset.done $0x0  }
0xfa: {  	[sflag:s18] =	ssyncadd.s32 $0xFFFFD800  }
0xfb: {  	_ =	swait.ge [sflag:s25], $0x2800  }
0xfc: {  	[sflag:s25] =	ssyncset.done $0x0  }
0xfd: {  	[sflag:s25] =	ssyncadd.s32 $0xFFFFD800  }
0xfe: {  	_ =	swait.ge [sflag:s26], $0x50  }
0xff: {  	s31 =	sshll.u32 s3, $0x6;
	s28 =	sadd.s32 $0x1, s28;
	[sflag:s26] =	ssyncset.done $0x0  }
0x100: {  	s17 =	sshrl.u32 s5, $0x3;
	p0 =	sne.s32 s28, s11;
	[sflag:s26] =	ssyncadd.s32 $0xFFFFFFB0  }
.Ltmp1:
0x101: {  	s0 =	sor.u32 $0x1C05, s31;
	[bflag:$0x0] =	sbarrier.arrive $0xFFFF;
	(pc) =	sbr.rel @p0 .LBB2_1-.Ltmp1, $4  }
0x102: {  	[hbm:s10], [sflag:s0] =	dma.local [spmem:s17], $0x100  }
0x103: {  	_ =	swait.ge [sflag:s18], $0x100  }
0x104: {  	[sflag:s18] =	ssyncset.done $0x0  }
0x105: {  	[sflag:s18] =	ssyncadd.s32 $0xFFFFFF00  }
0x106: {  	_ =	sfence.sel $0x180000  }
0x107: {  	[bflag:$0x0] =	sbarrier.arrive $0xFFFF  }
0x108: {  	_ =	strace $0x90000047  }
0x109: {  	[bflag:$0x2] =	sbarrier.arrive $0xFFFF  }
0x10a: {  	p0 =	sne.s32 s3, $0x0;
	s0 =	rddreg [dreg:$0x4]  }
0x10b: {  	s0 =	sadd.s32 @!p0 $0x100000, s0  }
0x10c: {  	[sflag:s0] =	ssyncadd.tile.s32 @!p0 $0x1;
	_ =	shalt  }
.Lfunc_end2:
_tile_overlayer_lowered:
.L_overlay_start_2:
0x10d: {  	(tag) =	ssettag $0x2  }
0x10e: {  	s0 =	rddreg [dreg:$0x0];
	s2 =	stileid.u32  }
0x10f: {  	s1 =	rddreg [dreg:$0x1];
	p0 =	sne.s32 s2, $0x0  }
0x110: {  	s3 =	rddreg [dreg:$0x2];
	[bflag:$0x3] =	sbarrier.arrive $0xFFFF;
	s2 =	simm.s32 @!p0 $0x1C05  }
0x111: {  	[timem:s3], [sflag:s2] =	dma.local @!p0 [hbm:s0], s1  }
0x112: {  	s0 =	simm.s32 @!p0 $0x5  }
0x113: {  	_ =	swait.ge @!p0 [sflag:s0], s1  }
0x114: {  	s1 =	ssub.s32 @!p0 $0x0, s1;
	[sflag:s0] =	ssyncset.done @!p0 $0x0  }
0x115: {  	[sflag:s0] =	ssyncadd.s32 @!p0 s1  }
0x116: {  	[bflag:$0x3] =	sbarrier.arrive $0xFFFF  }
0x117: {  	_ =	shalt  }

</sc_bundles>
